<compile_context>
chip_gen: v7x
topology: tpu7x:2x2x1
jax: 0.10.2.dev20260603
libtpu: 0.0.44.dev20260713+nightly
codegen_flags: <defaults>
</compile_context>

<pallas_src>
import jax
import jax.numpy as jnp
from jax import lax
from jax.experimental import pallas as pl
from jax.experimental.pallas import tpu as pltpu
from jax.experimental.pallas import tpu_sc as plsc

NUM_COLS = 100000
COL_DIM = 64
NUM_OPS = 6
OP_DIM = 8
B = 16384
L = 20
N = B * L
OUT_DIM = COL_DIM + OP_DIM + COL_DIM + 2

NW = 32
ROWS_PER_W = N // NW
C = 256
NCHUNK = ROWS_PER_W // C
NB = C // 128
ZROW = NUM_COLS


def _body(tab_hbm, opemb_hbm, col1_hbm, c2n_hbm, op_hbm, join_hbm, tail_hbm, out_hbm,
          idx1_v, c2n_v, idx2_v, opidx_v, join_v,
          buf1_v, buf2_v, bufop_v, tail_v, sem):
    wid = lax.axis_index("s") * 2 + lax.axis_index("c")

    def chunk(k, _):
        rowbase = wid * ROWS_PER_W + k * C
        blkbase = wid * (ROWS_PER_W // 128) + k * NB

        with jax.named_scope("in_copies"):
            pltpu.sync_copy(col1_hbm.at[pl.ds(blkbase, NB)], idx1_v)
            pltpu.sync_copy(c2n_hbm.at[pl.ds(blkbase, NB)], c2n_v)
            pltpu.sync_copy(op_hbm.at[pl.ds(blkbase, NB)], opidx_v)
            pltpu.sync_copy(join_hbm.at[pl.ds(blkbase, NB)], join_v)
            pltpu.sync_copy(tail_hbm.at[pl.ds(rowbase, C)], tail_v)

        with jax.named_scope("idx_compute"):
            for j in range(C // 16):
                r2, off = (j * 16) // 128, (j * 16) % 128
                g = join_v[r2, pl.ds(off, 16)]
                c2 = c2n_v[r2, pl.ds(off, 16)]
                idx2_v[r2, pl.ds(off, 16)] = jnp.where(g != 0, c2, ZROW)

        with jax.named_scope("gathers"):
            cps = []
            for s in range(NB):
                cps.append(pltpu.async_copy(
                    tab_hbm.at[idx1_v.at[s]], buf1_v.at[pl.ds(s * 128, 128)], sem))
                cps.append(pltpu.async_copy(
                    tab_hbm.at[idx2_v.at[s]], buf2_v.at[pl.ds(s * 128, 128)], sem))
                cps.append(pltpu.async_copy(
                    opemb_hbm.at[opidx_v.at[s]], bufop_v.at[pl.ds(s * 128, 128)], sem))
            for cp in cps:
                cp.wait()

        with jax.named_scope("out_copies"):
            pltpu.sync_copy(buf1_v.at[pl.ds(0, C), pl.ds(0, COL_DIM)],
                            out_hbm.at[pl.ds(rowbase, C), pl.ds(0, COL_DIM)])
            pltpu.sync_copy(bufop_v, out_hbm.at[pl.ds(rowbase, C), pl.ds(COL_DIM, OP_DIM)])
            pltpu.sync_copy(buf2_v.at[pl.ds(0, C), pl.ds(0, COL_DIM)],
                            out_hbm.at[pl.ds(rowbase, C), pl.ds(COL_DIM + OP_DIM, COL_DIM)])
            pltpu.sync_copy(tail_v, out_hbm.at[pl.ds(rowbase, C), pl.ds(OUT_DIM - 2, 2)])
        return ()

    lax.fori_loop(0, NCHUNK, chunk, ())


@jax.jit
def _encode(tab, opemb, col1, c2n, opi, join, tail):
    mesh = plsc.VectorSubcoreMesh(core_axis_name="c", subcore_axis_name="s")
    return pl.kernel(
        _body,
        out_type=jax.ShapeDtypeStruct((N, OUT_DIM), jnp.float32),
        mesh=mesh,
        compiler_params=pltpu.CompilerParams(use_tc_tiling_on_sc=False),
        scratch_types=[
            pltpu.VMEM((NB, 128), jnp.int32),
            pltpu.VMEM((NB, 128), jnp.int32),
            pltpu.VMEM((NB, 128), jnp.int32),
            pltpu.VMEM((NB, 128), jnp.int32),
            pltpu.VMEM((NB, 128), jnp.int32),
            pltpu.VMEM((C, 128), jnp.float32),
            pltpu.VMEM((C, 128), jnp.float32),
            pltpu.VMEM((C, OP_DIM), jnp.float32),
            pltpu.VMEM((C, 2), jnp.float32),
            pltpu.SemaphoreType.DMA,
        ],
    )(tab, opemb, col1, c2n, opi, join, tail)


def kernel(col1, op, col2_or_num, is_join, col_emb, op_emb):
    as_blocks = lambda a: a.reshape(-1).astype(jnp.int32).reshape(N // 128, 128)
    tab = jnp.pad(col_emb.astype(jnp.float32), ((0, 8), (0, 128 - COL_DIM)))
    gate = is_join.reshape(-1).astype(jnp.float32)
    num = col2_or_num.reshape(-1).astype(jnp.float32) * (1.0 - gate)
    tail = jnp.stack([num, gate], axis=-1)
    out = _encode(tab, op_emb.astype(jnp.float32), as_blocks(col1),
                  as_blocks(col2_or_num), as_blocks(op), as_blocks(is_join), tail)
    return out.reshape(B, L, OUT_DIM)

# --- scband reference (transcript-rebuilt; emitter-appended) ---
"""Pipeline reference for scband-predicate-encoder1-31430570672505 (READ-ONLY COPY).

The authoritative reference and input builder live on the scoring server;
editing this copy changes nothing except your own understanding.
"""

import jax, jax.numpy as jnp
import numpy as np

NUM_COLS = 100000
COL_DIM = 64
NUM_OPS = 6
OP_DIM = 8
B = 16384
L = 20


def setup_inputs(seed: int = 0) -> dict:
    key = jax.random.key(seed)
    k1, k2, k3, k4, k5, k6 = jax.random.split(key, 6)
    col1 = jax.random.randint(k1, (B, L), 0, NUM_COLS)
    op = jax.random.randint(k2, (B, L), 0, NUM_OPS)
    col2_or_num = jax.random.randint(k3, (B, L), 0, NUM_COLS)
    is_join = jax.random.randint(k4, (B, L), 0, 2)
    col_emb = jax.random.normal(k5, (NUM_COLS, COL_DIM), dtype=jnp.float32)
    op_emb = jax.random.normal(k6, (NUM_OPS, OP_DIM), dtype=jnp.float32)
    return {"col1": col1, "op": op, "col2_or_num": col2_or_num, "is_join": is_join, "col_emb": col_emb, "op_emb": op_emb}


def reference(col1, op, col2_or_num, is_join, col_emb, op_emb):
    col1 = col1.astype(jnp.int32)
    op = op.astype(jnp.int32)
    col2_ids = col2_or_num.astype(jnp.int32)
    num_val = col2_or_num.astype(jnp.float32)
    gate = is_join[..., None].astype(jnp.float32)
    col1_e = jnp.take(col_emb, col1, axis=0)
    op_e = jnp.take(op_emb, op, axis=0)
    col2_e = jnp.take(col_emb, col2_ids, axis=0) * gate
    num_feat = num_val[..., None] * (1.0 - gate)
    is_join_f = gate
    return jnp.concatenate([col1_e, op_e, col2_e, num_feat, is_join_f], axis=-1)

if __name__ == "__main__":
    import jax
    _d = setup_inputs()
    print(jax.jit(kernel)(*tuple(_d.values())))

</pallas_src>

<mosaic_0001>
#map = affine_map<(d0, d1) -> (0, 0)>
module attributes {stable_mosaic.version = 14 : i64} {
  func.func @_body(%arg0: i32, %arg1: i32, %arg2: memref<100008x128xf32, #tpu.memory_space<hbm>>, %arg3: memref<6x8xf32, #tpu.memory_space<hbm>>, %arg4: memref<2560x128xi32, #tpu.memory_space<hbm>>, %arg5: memref<2560x128xi32, #tpu.memory_space<hbm>>, %arg6: memref<2560x128xi32, #tpu.memory_space<hbm>>, %arg7: memref<2560x128xi32, #tpu.memory_space<hbm>>, %arg8: memref<327680x2xf32, #tpu.memory_space<hbm>>, %arg9: memref<327680x138xf32, #tpu.memory_space<hbm>>, %arg10: memref<2x128xi32, #tpu.memory_space<vmem>>, %arg11: memref<2x128xi32, #tpu.memory_space<vmem>>, %arg12: memref<2x128xi32, #tpu.memory_space<vmem>>, %arg13: memref<2x128xi32, #tpu.memory_space<vmem>>, %arg14: memref<2x128xi32, #tpu.memory_space<vmem>>, %arg15: memref<256x128xf32, #tpu.memory_space<vmem>>, %arg16: memref<256x128xf32, #tpu.memory_space<vmem>>, %arg17: memref<256x8xf32, #tpu.memory_space<vmem>>, %arg18: memref<256x2xf32, #tpu.memory_space<vmem>>, %arg19: memref<!tpu.dma_semaphore, #tpu.memory_space<semaphore_mem>>) attributes {dimension_semantics = [#tpu.dimension_semantics<core_parallel>, #tpu.dimension_semantics<subcore_parallel>], iteration_bounds = array<i64: 2, 16>, scalar_prefetch = 0 : i64, scratch_operands = 10 : i64, tpu.core_type = #tpu.core_type<sc_vector_subcore>, window_params = [{transform_indices = #map}, {transform_indices = #map}, {transform_indices = #map}, {transform_indices = #map}, {transform_indices = #map}, {transform_indices = #map}, {transform_indices = #map}, {transform_indices = #map}]} {
    %mul3A = arith.constant 2 : i32
    %mul3A_0 = arith.muli %arg1, %mul3A : i32
    %add3A = arith.addi %mul3A_0, %arg0 : i32
    %scan3A = arith.constant 0 : i32
    %scan3A_1 = arith.constant 40 : i32
    %scan3A_2 = arith.addi %scan3A, %scan3A_1 : i32
    %scan3A_3 = arith.constant 1 : i32
    scf.for %scan3A_5 = %scan3A to %scan3A_2 step %scan3A_3  : i32 {
      %mul3A_6 = arith.constant 10240 : i32
      %mul3A_7 = arith.muli %add3A, %mul3A_6 : i32
      %mul3A_8 = arith.constant 256 : i32
      %mul3A_9 = arith.muli %scan3A_5, %mul3A_8 : i32
      %add3A_10 = arith.addi %mul3A_7, %mul3A_9 : i32
      %mul3A_11 = arith.constant 80 : i32
      %mul3A_12 = arith.muli %add3A, %mul3A_11 : i32
      %mul3A_13 = arith.constant 2 : i32
      %mul3A_14 = arith.muli %scan3A_5, %mul3A_13 : i32
      %add3A_15 = arith.addi %mul3A_12, %mul3A_14 : i32
      "tpu.trace_start"() <{level = 10 : i32, message = "in_copies"}> : () -> ()
      "tpu.region"() ({
        %run_scoped3A = tpu.sem_alloc : memref<!tpu.dma_semaphore, #tpu.memory_space<semaphore_mem>>
        %dma_start3A_480 = arith.constant 0 : i32
        %dma_start3A_481 = tpu.memref_slice %arg4[%add3A_15, %dma_start3A_480] : memref<2560x128xi32, #tpu.memory_space<hbm>> -> memref<2x128xi32, #tpu.memory_space<hbm>>
        %dma_start3A_482 = arith.constant 0 : i32
        %dma_start3A_483 = tpu.memref_slice %arg4[%add3A_15, %dma_start3A_482] : memref<2560x128xi32, #tpu.memory_space<hbm>> -> memref<2x128xi32, #tpu.memory_space<hbm>>
        tpu.enqueue_dma source(%dma_start3A_483 : memref<2x128xi32, #tpu.memory_space<hbm>>) target(%arg10 : memref<2x128xi32, #tpu.memory_space<vmem>>) target_semaphore(%run_scoped3A : memref<!tpu.dma_semaphore, #tpu.memory_space<semaphore_mem>>)
        %dma_wait3A_484 = arith.constant 0 : i32
        %dma_wait3A_485 = tpu.memref_slice %arg4[%add3A_15, %dma_wait3A_484] : memref<2560x128xi32, #tpu.memory_space<hbm>> -> memref<2x128xi32, #tpu.memory_space<hbm>>
        %dma_wait3A_486 = arith.constant 0 : i32
        %dma_wait3A_487 = tpu.memref_slice %arg4[%add3A_15, %dma_wait3A_486] : memref<2560x128xi32, #tpu.memory_space<hbm>> -> memref<2x128xi32, #tpu.memory_space<hbm>>
        tpu.wait_dma2 semaphore(%run_scoped3A : memref<!tpu.dma_semaphore, #tpu.memory_space<semaphore_mem>>) src(%dma_wait3A_487 : memref<2x128xi32, #tpu.memory_space<hbm>>) dst(%arg10 : memref<2x128xi32, #tpu.memory_space<vmem>>)
        tpu.yield
      }) : () -> ()
      "tpu.region"() ({
        %run_scoped3A = tpu.sem_alloc : memref<!tpu.dma_semaphore, #tpu.memory_space<semaphore_mem>>
        %dma_start3A_480 = arith.constant 0 : i32
        %dma_start3A_481 = tpu.memref_slice %arg5[%add3A_15, %dma_start3A_480] : memref<2560x128xi32, #tpu.memory_space<hbm>> -> memref<2x128xi32, #tpu.memory_space<hbm>>
        %dma_start3A_482 = arith.constant 0 : i32
        %dma_start3A_483 = tpu.memref_slice %arg5[%add3A_15, %dma_start3A_482] : memref<2560x128xi32, #tpu.memory_space<hbm>> -> memref<2x128xi32, #tpu.memory_space<hbm>>
        tpu.enqueue_dma source(%dma_start3A_483 : memref<2x128xi32, #tpu.memory_space<hbm>>) target(%arg11 : memref<2x128xi32, #tpu.memory_space<vmem>>) target_semaphore(%run_scoped3A : memref<!tpu.dma_semaphore, #tpu.memory_space<semaphore_mem>>)
        %dma_wait3A_484 = arith.constant 0 : i32
        %dma_wait3A_485 = tpu.memref_slice %arg5[%add3A_15, %dma_wait3A_484] : memref<2560x128xi32, #tpu.memory_space<hbm>> -> memref<2x128xi32, #tpu.memory_space<hbm>>
        %dma_wait3A_486 = arith.constant 0 : i32
        %dma_wait3A_487 = tpu.memref_slice %arg5[%add3A_15, %dma_wait3A_486] : memref<2560x128xi32, #tpu.memory_space<hbm>> -> memref<2x128xi32, #tpu.memory_space<hbm>>
        tpu.wait_dma2 semaphore(%run_scoped3A : memref<!tpu.dma_semaphore, #tpu.memory_space<semaphore_mem>>) src(%dma_wait3A_487 : memref<2x128xi32, #tpu.memory_space<hbm>>) dst(%arg11 : memref<2x128xi32, #tpu.memory_space<vmem>>)
        tpu.yield
      }) : () -> ()
      "tpu.region"() ({
        %run_scoped3A = tpu.sem_alloc : memref<!tpu.dma_semaphore, #tpu.memory_space<semaphore_mem>>
        %dma_start3A_480 = arith.constant 0 : i32
        %dma_start3A_481 = tpu.memref_slice %arg6[%add3A_15, %dma_start3A_480] : memref<2560x128xi32, #tpu.memory_space<hbm>> -> memref<2x128xi32, #tpu.memory_space<hbm>>
        %dma_start3A_482 = arith.constant 0 : i32
        %dma_start3A_483 = tpu.memref_slice %arg6[%add3A_15, %dma_start3A_482] : memref<2560x128xi32, #tpu.memory_space<hbm>> -> memref<2x128xi32, #tpu.memory_space<hbm>>
        tpu.enqueue_dma source(%dma_start3A_483 : memref<2x128xi32, #tpu.memory_space<hbm>>) target(%arg13 : memref<2x128xi32, #tpu.memory_space<vmem>>) target_semaphore(%run_scoped3A : memref<!tpu.dma_semaphore, #tpu.memory_space<semaphore_mem>>)
        %dma_wait3A_484 = arith.constant 0 : i32
        %dma_wait3A_485 = tpu.memref_slice %arg6[%add3A_15, %dma_wait3A_484] : memref<2560x128xi32, #tpu.memory_space<hbm>> -> memref<2x128xi32, #tpu.memory_space<hbm>>
        %dma_wait3A_486 = arith.constant 0 : i32
        %dma_wait3A_487 = tpu.memref_slice %arg6[%add3A_15, %dma_wait3A_486] : memref<2560x128xi32, #tpu.memory_space<hbm>> -> memref<2x128xi32, #tpu.memory_space<hbm>>
        tpu.wait_dma2 semaphore(%run_scoped3A : memref<!tpu.dma_semaphore, #tpu.memory_space<semaphore_mem>>) src(%dma_wait3A_487 : memref<2x128xi32, #tpu.memory_space<hbm>>) dst(%arg13 : memref<2x128xi32, #tpu.memory_space<vmem>>)
        tpu.yield
      }) : () -> ()
      "tpu.region"() ({
        %run_scoped3A = tpu.sem_alloc : memref<!tpu.dma_semaphore, #tpu.memory_space<semaphore_mem>>
        %dma_start3A_480 = arith.constant 0 : i32
        %dma_start3A_481 = tpu.memref_slice %arg7[%add3A_15, %dma_start3A_480] : memref<2560x128xi32, #tpu.memory_space<hbm>> -> memref<2x128xi32, #tpu.memory_space<hbm>>
        %dma_start3A_482 = arith.constant 0 : i32
        %dma_start3A_483 = tpu.memref_slice %arg7[%add3A_15, %dma_start3A_482] : memref<2560x128xi32, #tpu.memory_space<hbm>> -> memref<2x128xi32, #tpu.memory_space<hbm>>
        tpu.enqueue_dma source(%dma_start3A_483 : memref<2x128xi32, #tpu.memory_space<hbm>>) target(%arg14 : memref<2x128xi32, #tpu.memory_space<vmem>>) target_semaphore(%run_scoped3A : memref<!tpu.dma_semaphore, #tpu.memory_space<semaphore_mem>>)
        %dma_wait3A_484 = arith.constant 0 : i32
        %dma_wait3A_485 = tpu.memref_slice %arg7[%add3A_15, %dma_wait3A_484] : memref<2560x128xi32, #tpu.memory_space<hbm>> -> memref<2x128xi32, #tpu.memory_space<hbm>>
        %dma_wait3A_486 = arith.constant 0 : i32
        %dma_wait3A_487 = tpu.memref_slice %arg7[%add3A_15, %dma_wait3A_486] : memref<2560x128xi32, #tpu.memory_space<hbm>> -> memref<2x128xi32, #tpu.memory_space<hbm>>
        tpu.wait_dma2 semaphore(%run_scoped3A : memref<!tpu.dma_semaphore, #tpu.memory_space<semaphore_mem>>) src(%dma_wait3A_487 : memref<2x128xi32, #tpu.memory_space<hbm>>) dst(%arg14 : memref<2x128xi32, #tpu.memory_space<vmem>>)
        tpu.yield
      }) : () -> ()
      "tpu.region"() ({
        %run_scoped3A = tpu.sem_alloc : memref<!tpu.dma_semaphore, #tpu.memory_space<semaphore_mem>>
        %dma_start3A_480 = arith.constant 0 : i32
        %dma_start3A_481 = tpu.memref_slice %arg8[%add3A_10, %dma_start3A_480] : memref<327680x2xf32, #tpu.memory_space<hbm>> -> memref<256x2xf32, #tpu.memory_space<hbm>>
        %dma_start3A_482 = arith.constant 0 : i32
        %dma_start3A_483 = tpu.memref_slice %arg8[%add3A_10, %dma_start3A_482] : memref<327680x2xf32, #tpu.memory_space<hbm>> -> memref<256x2xf32, #tpu.memory_space<hbm>>
        tpu.enqueue_dma source(%dma_start3A_483 : memref<256x2xf32, #tpu.memory_space<hbm>>) target(%arg18 : memref<256x2xf32, #tpu.memory_space<vmem>>) target_semaphore(%run_scoped3A : memref<!tpu.dma_semaphore, #tpu.memory_space<semaphore_mem>>)
        %dma_wait3A_484 = arith.constant 0 : i32
        %dma_wait3A_485 = tpu.memref_slice %arg8[%add3A_10, %dma_wait3A_484] : memref<327680x2xf32, #tpu.memory_space<hbm>> -> memref<256x2xf32, #tpu.memory_space<hbm>>
        %dma_wait3A_486 = arith.constant 0 : i32
        %dma_wait3A_487 = tpu.memref_slice %arg8[%add3A_10, %dma_wait3A_486] : memref<327680x2xf32, #tpu.memory_space<hbm>> -> memref<256x2xf32, #tpu.memory_space<hbm>>
        tpu.wait_dma2 semaphore(%run_scoped3A : memref<!tpu.dma_semaphore, #tpu.memory_space<semaphore_mem>>) src(%dma_wait3A_487 : memref<256x2xf32, #tpu.memory_space<hbm>>) dst(%arg18 : memref<256x2xf32, #tpu.memory_space<vmem>>)
        tpu.yield
      }) : () -> ()
      %get3A = arith.constant 0 : i32
      "tpu.trace_stop"() : () -> ()
      "tpu.trace_start"() <{level = 10 : i32, message = "idx_compute"}> : () -> ()
      %get3A_16 = arith.index_cast %get3A : i32 to index
      %get3A_17 = arith.constant 0 : index
      %get3A_18 = tpu.vector_load %arg14[%get3A_16, %get3A_17] {strides = array<i32>} : memref<2x128xi32, #tpu.memory_space<vmem>>, vector<1x16xi32>,
      %get3A_19 = vector.shape_cast %get3A_18 : vector<1x16xi32> to vector<16xi32>
      %get3A_20 = arith.constant 0 : i32
      %get3A_21 = arith.index_cast %get3A_20 : i32 to index
      %get3A_22 = arith.constant 0 : index
      %get3A_23 = tpu.vector_load %arg11[%get3A_21, %get3A_22] {strides = array<i32>} : memref<2x128xi32, #tpu.memory_space<vmem>>, vector<1x16xi32>,
      %get3A_24 = vector.shape_cast %get3A_23 : vector<1x16xi32> to vector<16xi32>
      %ne3A = arith.constant 0 : i32
      %ne3A_25 = vector.broadcast %ne3A : i32 to vector<16xi32>
      %ne3A_26 = arith.cmpi ne, %get3A_19, %ne3A_25 : vector<16xi32>
      %jit3A = arith.constant 100000 : i32
      %broadcast_in_dim3A = vector.broadcast %jit3A : i32 to vector<16xi32>
      %select_n3A = arith.select %ne3A_26, %get3A_24, %broadcast_in_dim3A : vector<16xi1>, vector<16xi32>
      %swap3A = arith.constant 0 : i32
      %swap3A_27 = arith.index_cast %swap3A : i32 to index
      %swap3A_28 = arith.constant 0 : index
      %swap3A_29 = tpu.vector_load %arg12[%swap3A_27, %swap3A_28] {strides = array<i32>} : memref<2x128xi32, #tpu.memory_space<vmem>>, vector<1x16xi32>,
      %swap3A_30 = vector.shape_cast %swap3A_29 : vector<1x16xi32> to vector<16xi32>
      %swap3A_31 = vector.shape_cast %select_n3A : vector<16xi32> to vector<1x16xi32>
      tpu.vector_store %arg12[%swap3A_27, %swap3A_28], %swap3A_31 {strides = array<i32>} : memref<2x128xi32, #tpu.memory_space<vmem>>, vector<1x16xi32>,
      %get3A_32 = arith.constant 0 : i32
      %get3A_33 = arith.index_cast %get3A_32 : i32 to index
      %get3A_34 = arith.constant 16 : index
      %get3A_35 = tpu.vector_load %arg14[%get3A_33, %get3A_34] {strides = array<i32>} : memref<2x128xi32, #tpu.memory_space<vmem>>, vector<1x16xi32>,
      %get3A_36 = vector.shape_cast %get3A_35 : vector<1x16xi32> to vector<16xi32>
      %get3A_37 = arith.constant 0 : i32
      %get3A_38 = arith.index_cast %get3A_37 : i32 to index
      %get3A_39 = arith.constant 16 : index
      %get3A_40 = tpu.vector_load %arg11[%get3A_38, %get3A_39] {strides = array<i32>} : memref<2x128xi32, #tpu.memory_space<vmem>>, vector<1x16xi32>,
      %get3A_41 = vector.shape_cast %get3A_40 : vector<1x16xi32> to vector<16xi32>
      %ne3A_42 = arith.constant 0 : i32
      %ne3A_43 = vector.broadcast %ne3A_42 : i32 to vector<16xi32>
      %ne3A_44 = arith.cmpi ne, %get3A_36, %ne3A_43 : vector<16xi32>
      %jit3A_45 = arith.constant 100000 : i32
      %broadcast_in_dim3A_46 = vector.broadcast %jit3A_45 : i32 to vector<16xi32>
      %select_n3A_47 = arith.select %ne3A_44, %get3A_41, %broadcast_in_dim3A_46 : vector<16xi1>, vector<16xi32>
      %swap3A_48 = arith.constant 0 : i32
      %swap3A_49 = arith.index_cast %swap3A_48 : i32 to index
      %swap3A_50 = arith.constant 16 : index
      %swap3A_51 = tpu.vector_load %arg12[%swap3A_49, %swap3A_50] {strides = array<i32>} : memref<2x128xi32, #tpu.memory_space<vmem>>, vector<1x16xi32>,
      %swap3A_52 = vector.shape_cast %swap3A_51 : vector<1x16xi32> to vector<16xi32>
      %swap3A_53 = vector.shape_cast %select_n3A_47 : vector<16xi32> to vector<1x16xi32>
      tpu.vector_store %arg12[%swap3A_49, %swap3A_50], %swap3A_53 {strides = array<i32>} : memref<2x128xi32, #tpu.memory_space<vmem>>, vector<1x16xi32>,
      %get3A_54 = arith.constant 0 : i32
      %get3A_55 = arith.index_cast %get3A_54 : i32 to index
      %get3A_56 = arith.constant 32 : index
      %get3A_57 = tpu.vector_load %arg14[%get3A_55, %get3A_56] {strides = array<i32>} : memref<2x128xi32, #tpu.memory_space<vmem>>, vector<1x16xi32>,
      %get3A_58 = vector.shape_cast %get3A_57 : vector<1x16xi32> to vector<16xi32>
      %get3A_59 = arith.constant 0 : i32
      %get3A_60 = arith.index_cast %get3A_59 : i32 to index
      %get3A_61 = arith.constant 32 : index
      %get3A_62 = tpu.vector_load %arg11[%get3A_60, %get3A_61] {strides = array<i32>} : memref<2x128xi32, #tpu.memory_space<vmem>>, vector<1x16xi32>,
      %get3A_63 = vector.shape_cast %get3A_62 : vector<1x16xi32> to vector<16xi32>
      %ne3A_64 = arith.constant 0 : i32
      %ne3A_65 = vector.broadcast %ne3A_64 : i32 to vector<16xi32>
      %ne3A_66 = arith.cmpi ne, %get3A_58, %ne3A_65 : vector<16xi32>
      %jit3A_67 = arith.constant 100000 : i32
      %broadcast_in_dim3A_68 = vector.broadcast %jit3A_67 : i32 to vector<16xi32>
      %select_n3A_69 = arith.select %ne3A_66, %get3A_63, %broadcast_in_dim3A_68 : vector<16xi1>, vector<16xi32>
      %swap3A_70 = arith.constant 0 : i32
      %swap3A_71 = arith.index_cast %swap3A_70 : i32 to index
      %swap3A_72 = arith.constant 32 : index
      %swap3A_73 = tpu.vector_load %arg12[%swap3A_71, %swap3A_72] {strides = array<i32>} : memref<2x128xi32, #tpu.memory_space<vmem>>, vector<1x16xi32>,
      %swap3A_74 = vector.shape_cast %swap3A_73 : vector<1x16xi32> to vector<16xi32>
      %swap3A_75 = vector.shape_cast %select_n3A_69 : vector<16xi32> to vector<1x16xi32>
      tpu.vector_store %arg12[%swap3A_71, %swap3A_72], %swap3A_75 {strides = array<i32>} : memref<2x128xi32, #tpu.memory_space<vmem>>, vector<1x16xi32>,
      %get3A_76 = arith.constant 0 : i32
      %get3A_77 = arith.index_cast %get3A_76 : i32 to index
      %get3A_78 = arith.constant 48 : index
      %get3A_79 = tpu.vector_load %arg14[%get3A_77, %get3A_78] {strides = array<i32>} : memref<2x128xi32, #tpu.memory_space<vmem>>, vector<1x16xi32>,
      %get3A_80 = vector.shape_cast %get3A_79 : vector<1x16xi32> to vector<16xi32>
      %get3A_81 = arith.constant 0 : i32
      %get3A_82 = arith.index_cast %get3A_81 : i32 to index
      %get3A_83 = arith.constant 48 : index
      %get3A_84 = tpu.vector_load %arg11[%get3A_82, %get3A_83] {strides = array<i32>} : memref<2x128xi32, #tpu.memory_space<vmem>>, vector<1x16xi32>,
      %get3A_85 = vector.shape_cast %get3A_84 : vector<1x16xi32> to vector<16xi32>
      %ne3A_86 = arith.constant 0 : i32
      %ne3A_87 = vector.broadcast %ne3A_86 : i32 to vector<16xi32>
      %ne3A_88 = arith.cmpi ne, %get3A_80, %ne3A_87 : vector<16xi32>
      %jit3A_89 = arith.constant 100000 : i32
      %broadcast_in_dim3A_90 = vector.broadcast %jit3A_89 : i32 to vector<16xi32>
      %select_n3A_91 = arith.select %ne3A_88, %get3A_85, %broadcast_in_dim3A_90 : vector<16xi1>, vector<16xi32>
      %swap3A_92 = arith.constant 0 : i32
      %swap3A_93 = arith.index_cast %swap3A_92 : i32 to index
      %swap3A_94 = arith.constant 48 : index
      %swap3A_95 = tpu.vector_load %arg12[%swap3A_93, %swap3A_94] {strides = array<i32>} : memref<2x128xi32, #tpu.memory_space<vmem>>, vector<1x16xi32>,
      %swap3A_96 = vector.shape_cast %swap3A_95 : vector<1x16xi32> to vector<16xi32>
      %swap3A_97 = vector.shape_cast %select_n3A_91 : vector<16xi32> to vector<1x16xi32>
      tpu.vector_store %arg12[%swap3A_93, %swap3A_94], %swap3A_97 {strides = array<i32>} : memref<2x128xi32, #tpu.memory_space<vmem>>, vector<1x16xi32>,
      %get3A_98 = arith.constant 0 : i32
      %get3A_99 = arith.index_cast %get3A_98 : i32 to index
      %get3A_100 = arith.constant 64 : index
      %get3A_101 = tpu.vector_load %arg14[%get3A_99, %get3A_100] {strides = array<i32>} : memref<2x128xi32, #tpu.memory_space<vmem>>, vector<1x16xi32>,
      %get3A_102 = vector.shape_cast %get3A_101 : vector<1x16xi32> to vector<16xi32>
      %get3A_103 = arith.constant 0 : i32
      %get3A_104 = arith.index_cast %get3A_103 : i32 to index
      %get3A_105 = arith.constant 64 : index
      %get3A_106 = tpu.vector_load %arg11[%get3A_104, %get3A_105] {strides = array<i32>} : memref<2x128xi32, #tpu.memory_space<vmem>>, vector<1x16xi32>,
      %get3A_107 = vector.shape_cast %get3A_106 : vector<1x16xi32> to vector<16xi32>
      %ne3A_108 = arith.constant 0 : i32
      %ne3A_109 = vector.broadcast %ne3A_108 : i32 to vector<16xi32>
      %ne3A_110 = arith.cmpi ne, %get3A_102, %ne3A_109 : vector<16xi32>
      %jit3A_111 = arith.constant 100000 : i32
      %broadcast_in_dim3A_112 = vector.broadcast %jit3A_111 : i32 to vector<16xi32>
      %select_n3A_113 = arith.select %ne3A_110, %get3A_107, %broadcast_in_dim3A_112 : vector<16xi1>, vector<16xi32>
      %swap3A_114 = arith.constant 0 : i32
      %swap3A_115 = arith.index_cast %swap3A_114 : i32 to index
      %swap3A_116 = arith.constant 64 : index
      %swap3A_117 = tpu.vector_load %arg12[%swap3A_115, %swap3A_116] {strides = array<i32>} : memref<2x128xi32, #tpu.memory_space<vmem>>, vector<1x16xi32>,
      %swap3A_118 = vector.shape_cast %swap3A_117 : vector<1x16xi32> to vector<16xi32>
      %swap3A_119 = vector.shape_cast %select_n3A_113 : vector<16xi32> to vector<1x16xi32>
      tpu.vector_store %arg12[%swap3A_115, %swap3A_116], %swap3A_119 {strides = array<i32>} : memref<2x128xi32, #tpu.memory_space<vmem>>, vector<1x16xi32>,
      %get3A_120 = arith.constant 0 : i32
      %get3A_121 = arith.index_cast %get3A_120 : i32 to index
      %get3A_122 = arith.constant 80 : index
      %get3A_123 = tpu.vector_load %arg14[%get3A_121, %get3A_122] {strides = array<i32>} : memref<2x128xi32, #tpu.memory_space<vmem>>, vector<1x16xi32>,
      %get3A_124 = vector.shape_cast %get3A_123 : vector<1x16xi32> to vector<16xi32>
      %get3A_125 = arith.constant 0 : i32
      %get3A_126 = arith.index_cast %get3A_125 : i32 to index
      %get3A_127 = arith.constant 80 : index
      %get3A_128 = tpu.vector_load %arg11[%get3A_126, %get3A_127] {strides = array<i32>} : memref<2x128xi32, #tpu.memory_space<vmem>>, vector<1x16xi32>,
      %get3A_129 = vector.shape_cast %get3A_128 : vector<1x16xi32> to vector<16xi32>
      %ne3A_130 = arith.constant 0 : i32
      %ne3A_131 = vector.broadcast %ne3A_130 : i32 to vector<16xi32>
      %ne3A_132 = arith.cmpi ne, %get3A_124, %ne3A_131 : vector<16xi32>
      %jit3A_133 = arith.constant 100000 : i32
      %broadcast_in_dim3A_134 = vector.broadcast %jit3A_133 : i32 to vector<16xi32>
      %select_n3A_135 = arith.select %ne3A_132, %get3A_129, %broadcast_in_dim3A_134 : vector<16xi1>, vector<16xi32>
      %swap3A_136 = arith.constant 0 : i32
      %swap3A_137 = arith.index_cast %swap3A_136 : i32 to index
      %swap3A_138 = arith.constant 80 : index
      %swap3A_139 = tpu.vector_load %arg12[%swap3A_137, %swap3A_138] {strides = array<i32>} : memref<2x128xi32, #tpu.memory_space<vmem>>, vector<1x16xi32>,
      %swap3A_140 = vector.shape_cast %swap3A_139 : vector<1x16xi32> to vector<16xi32>
      %swap3A_141 = vector.shape_cast %select_n3A_135 : vector<16xi32> to vector<1x16xi32>
      tpu.vector_store %arg12[%swap3A_137, %swap3A_138], %swap3A_141 {strides = array<i32>} : memref<2x128xi32, #tpu.memory_space<vmem>>, vector<1x16xi32>,
      %get3A_142 = arith.constant 0 : i32
      %get3A_143 = arith.index_cast %get3A_142 : i32 to index
      %get3A_144 = arith.constant 96 : index
      %get3A_145 = tpu.vector_load %arg14[%get3A_143, %get3A_144] {strides = array<i32>} : memref<2x128xi32, #tpu.memory_space<vmem>>, vector<1x16xi32>,
      %get3A_146 = vector.shape_cast %get3A_145 : vector<1x16xi32> to vector<16xi32>
      %get3A_147 = arith.constant 0 : i32
      %get3A_148 = arith.index_cast %get3A_147 : i32 to index
      %get3A_149 = arith.constant 96 : index
      %get3A_150 = tpu.vector_load %arg11[%get3A_148, %get3A_149] {strides = array<i32>} : memref<2x128xi32, #tpu.memory_space<vmem>>, vector<1x16xi32>,
      %get3A_151 = vector.shape_cast %get3A_150 : vector<1x16xi32> to vector<16xi32>
      %ne3A_152 = arith.constant 0 : i32
      %ne3A_153 = vector.broadcast %ne3A_152 : i32 to vector<16xi32>
      %ne3A_154 = arith.cmpi ne, %get3A_146, %ne3A_153 : vector<16xi32>
      %jit3A_155 = arith.constant 100000 : i32
      %broadcast_in_dim3A_156 = vector.broadcast %jit3A_155 : i32 to vector<16xi32>
      %select_n3A_157 = arith.select %ne3A_154, %get3A_151, %broadcast_in_dim3A_156 : vector<16xi1>, vector<16xi32>
      %swap3A_158 = arith.constant 0 : i32
      %swap3A_159 = arith.index_cast %swap3A_158 : i32 to index
      %swap3A_160 = arith.constant 96 : index
      %swap3A_161 = tpu.vector_load %arg12[%swap3A_159, %swap3A_160] {strides = array<i32>} : memref<2x128xi32, #tpu.memory_space<vmem>>, vector<1x16xi32>,
      %swap3A_162 = vector.shape_cast %swap3A_161 : vector<1x16xi32> to vector<16xi32>
      %swap3A_163 = vector.shape_cast %select_n3A_157 : vector<16xi32> to vector<1x16xi32>
      tpu.vector_store %arg12[%swap3A_159, %swap3A_160], %swap3A_163 {strides = array<i32>} : memref<2x128xi32, #tpu.memory_space<vmem>>, vector<1x16xi32>,
      %get3A_164 = arith.constant 0 : i32
      %get3A_165 = arith.index_cast %get3A_164 : i32 to index
      %get3A_166 = arith.constant 112 : index
      %get3A_167 = tpu.vector_load %arg14[%get3A_165, %get3A_166] {strides = array<i32>} : memref<2x128xi32, #tpu.memory_space<vmem>>, vector<1x16xi32>,
      %get3A_168 = vector.shape_cast %get3A_167 : vector<1x16xi32> to vector<16xi32>
      %get3A_169 = arith.constant 0 : i32
      %get3A_170 = arith.index_cast %get3A_169 : i32 to index
      %get3A_171 = arith.constant 112 : index
      %get3A_172 = tpu.vector_load %arg11[%get3A_170, %get3A_171] {strides = array<i32>} : memref<2x128xi32, #tpu.memory_space<vmem>>, vector<1x16xi32>,
      %get3A_173 = vector.shape_cast %get3A_172 : vector<1x16xi32> to vector<16xi32>
      %ne3A_174 = arith.constant 0 : i32
      %ne3A_175 = vector.broadcast %ne3A_174 : i32 to vector<16xi32>
      %ne3A_176 = arith.cmpi ne, %get3A_168, %ne3A_175 : vector<16xi32>
      %jit3A_177 = arith.constant 100000 : i32
      %broadcast_in_dim3A_178 = vector.broadcast %jit3A_177 : i32 to vector<16xi32>
      %select_n3A_179 = arith.select %ne3A_176, %get3A_173, %broadcast_in_dim3A_178 : vector<16xi1>, vector<16xi32>
      %swap3A_180 = arith.constant 0 : i32
      %swap3A_181 = arith.index_cast %swap3A_180 : i32 to index
      %swap3A_182 = arith.constant 112 : index
      %swap3A_183 = tpu.vector_load %arg12[%swap3A_181, %swap3A_182] {strides = array<i32>} : memref<2x128xi32, #tpu.memory_space<vmem>>, vector<1x16xi32>,
      %swap3A_184 = vector.shape_cast %swap3A_183 : vector<1x16xi32> to vector<16xi32>
      %swap3A_185 = vector.shape_cast %select_n3A_179 : vector<16xi32> to vector<1x16xi32>
      tpu.vector_store %arg12[%swap3A_181, %swap3A_182], %swap3A_185 {strides = array<i32>} : memref<2x128xi32, #tpu.memory_space<vmem>>, vector<1x16xi32>,
      %get3A_186 = arith.constant 1 : i32
      %get3A_187 = arith.index_cast %get3A_186 : i32 to index
      %get3A_188 = arith.constant 0 : index
      %get3A_189 = tpu.vector_load %arg14[%get3A_187, %get3A_188] {strides = array<i32>} : memref<2x128xi32, #tpu.memory_space<vmem>>, vector<1x16xi32>,
      %get3A_190 = vector.shape_cast %get3A_189 : vector<1x16xi32> to vector<16xi32>
      %get3A_191 = arith.constant 1 : i32
      %get3A_192 = arith.index_cast %get3A_191 : i32 to index
      %get3A_193 = arith.constant 0 : index
      %get3A_194 = tpu.vector_load %arg11[%get3A_192, %get3A_193] {strides = array<i32>} : memref<2x128xi32, #tpu.memory_space<vmem>>, vector<1x16xi32>,
      %get3A_195 = vector.shape_cast %get3A_194 : vector<1x16xi32> to vector<16xi32>
      %ne3A_196 = arith.constant 0 : i32
      %ne3A_197 = vector.broadcast %ne3A_196 : i32 to vector<16xi32>
      %ne3A_198 = arith.cmpi ne, %get3A_190, %ne3A_197 : vector<16xi32>
      %jit3A_199 = arith.constant 100000 : i32
      %broadcast_in_dim3A_200 = vector.broadcast %jit3A_199 : i32 to vector<16xi32>
      %select_n3A_201 = arith.select %ne3A_198, %get3A_195, %broadcast_in_dim3A_200 : vector<16xi1>, vector<16xi32>
      %swap3A_202 = arith.constant 1 : i32
      %swap3A_203 = arith.index_cast %swap3A_202 : i32 to index
      %swap3A_204 = arith.constant 0 : index
      %swap3A_205 = tpu.vector_load %arg12[%swap3A_203, %swap3A_204] {strides = array<i32>} : memref<2x128xi32, #tpu.memory_space<vmem>>, vector<1x16xi32>,
      %swap3A_206 = vector.shape_cast %swap3A_205 : vector<1x16xi32> to vector<16xi32>
      %swap3A_207 = vector.shape_cast %select_n3A_201 : vector<16xi32> to vector<1x16xi32>
      tpu.vector_store %arg12[%swap3A_203, %swap3A_204], %swap3A_207 {strides = array<i32>} : memref<2x128xi32, #tpu.memory_space<vmem>>, vector<1x16xi32>,
      %get3A_208 = arith.constant 1 : i32
      %get3A_209 = arith.index_cast %get3A_208 : i32 to index
      %get3A_210 = arith.constant 16 : index
      %get3A_211 = tpu.vector_load %arg14[%get3A_209, %get3A_210] {strides = array<i32>} : memref<2x128xi32, #tpu.memory_space<vmem>>, vector<1x16xi32>,
      %get3A_212 = vector.shape_cast %get3A_211 : vector<1x16xi32> to vector<16xi32>
      %get3A_213 = arith.constant 1 : i32
      %get3A_214 = arith.index_cast %get3A_213 : i32 to index
      %get3A_215 = arith.constant 16 : index
      %get3A_216 = tpu.vector_load %arg11[%get3A_214, %get3A_215] {strides = array<i32>} : memref<2x128xi32, #tpu.memory_space<vmem>>, vector<1x16xi32>,
      %get3A_217 = vector.shape_cast %get3A_216 : vector<1x16xi32> to vector<16xi32>
      %ne3A_218 = arith.constant 0 : i32
      %ne3A_219 = vector.broadcast %ne3A_218 : i32 to vector<16xi32>
      %ne3A_220 = arith.cmpi ne, %get3A_212, %ne3A_219 : vector<16xi32>
      %jit3A_221 = arith.constant 100000 : i32
      %broadcast_in_dim3A_222 = vector.broadcast %jit3A_221 : i32 to vector<16xi32>
      %select_n3A_223 = arith.select %ne3A_220, %get3A_217, %broadcast_in_dim3A_222 : vector<16xi1>, vector<16xi32>
      %swap3A_224 = arith.constant 1 : i32
      %swap3A_225 = arith.index_cast %swap3A_224 : i32 to index
      %swap3A_226 = arith.constant 16 : index
      %swap3A_227 = tpu.vector_load %arg12[%swap3A_225, %swap3A_226] {strides = array<i32>} : memref<2x128xi32, #tpu.memory_space<vmem>>, vector<1x16xi32>,
      %swap3A_228 = vector.shape_cast %swap3A_227 : vector<1x16xi32> to vector<16xi32>
      %swap3A_229 = vector.shape_cast %select_n3A_223 : vector<16xi32> to vector<1x16xi32>
      tpu.vector_store %arg12[%swap3A_225, %swap3A_226], %swap3A_229 {strides = array<i32>} : memref<2x128xi32, #tpu.memory_space<vmem>>, vector<1x16xi32>,
      %get3A_230 = arith.constant 1 : i32
      %get3A_231 = arith.index_cast %get3A_230 : i32 to index
      %get3A_232 = arith.constant 32 : index
      %get3A_233 = tpu.vector_load %arg14[%get3A_231, %get3A_232] {strides = array<i32>} : memref<2x128xi32, #tpu.memory_space<vmem>>, vector<1x16xi32>,
      %get3A_234 = vector.shape_cast %get3A_233 : vector<1x16xi32> to vector<16xi32>
      %get3A_235 = arith.constant 1 : i32
      %get3A_236 = arith.index_cast %get3A_235 : i32 to index
      %get3A_237 = arith.constant 32 : index
      %get3A_238 = tpu.vector_load %arg11[%get3A_236, %get3A_237] {strides = array<i32>} : memref<2x128xi32, #tpu.memory_space<vmem>>, vector<1x16xi32>,
      %get3A_239 = vector.shape_cast %get3A_238 : vector<1x16xi32> to vector<16xi32>
      %ne3A_240 = arith.constant 0 : i32
      %ne3A_241 = vector.broadcast %ne3A_240 : i32 to vector<16xi32>
      %ne3A_242 = arith.cmpi ne, %get3A_234, %ne3A_241 : vector<16xi32>
      %jit3A_243 = arith.constant 100000 : i32
      %broadcast_in_dim3A_244 = vector.broadcast %jit3A_243 : i32 to vector<16xi32>
      %select_n3A_245 = arith.select %ne3A_242, %get3A_239, %broadcast_in_dim3A_244 : vector<16xi1>, vector<16xi32>
      %swap3A_246 = arith.constant 1 : i32
      %swap3A_247 = arith.index_cast %swap3A_246 : i32 to index
      %swap3A_248 = arith.constant 32 : index
      %swap3A_249 = tpu.vector_load %arg12[%swap3A_247, %swap3A_248] {strides = array<i32>} : memref<2x128xi32, #tpu.memory_space<vmem>>, vector<1x16xi32>,
      %swap3A_250 = vector.shape_cast %swap3A_249 : vector<1x16xi32> to vector<16xi32>
      %swap3A_251 = vector.shape_cast %select_n3A_245 : vector<16xi32> to vector<1x16xi32>
      tpu.vector_store %arg12[%swap3A_247, %swap3A_248], %swap3A_251 {strides = array<i32>} : memref<2x128xi32, #tpu.memory_space<vmem>>, vector<1x16xi32>,
      %get3A_252 = arith.constant 1 : i32
      %get3A_253 = arith.index_cast %get3A_252 : i32 to index
      %get3A_254 = arith.constant 48 : index
      %get3A_255 = tpu.vector_load %arg14[%get3A_253, %get3A_254] {strides = array<i32>} : memref<2x128xi32, #tpu.memory_space<vmem>>, vector<1x16xi32>,
      %get3A_256 = vector.shape_cast %get3A_255 : vector<1x16xi32> to vector<16xi32>
      %get3A_257 = arith.constant 1 : i32
      %get3A_258 = arith.index_cast %get3A_257 : i32 to index
      %get3A_259 = arith.constant 48 : index
      %get3A_260 = tpu.vector_load %arg11[%get3A_258, %get3A_259] {strides = array<i32>} : memref<2x128xi32, #tpu.memory_space<vmem>>, vector<1x16xi32>,
      %get3A_261 = vector.shape_cast %get3A_260 : vector<1x16xi32> to vector<16xi32>
      %ne3A_262 = arith.constant 0 : i32
      %ne3A_263 = vector.broadcast %ne3A_262 : i32 to vector<16xi32>
      %ne3A_264 = arith.cmpi ne, %get3A_256, %ne3A_263 : vector<16xi32>
      %jit3A_265 = arith.constant 100000 : i32
      %broadcast_in_dim3A_266 = vector.broadcast %jit3A_265 : i32 to vector<16xi32>
      %select_n3A_267 = arith.select %ne3A_264, %get3A_261, %broadcast_in_dim3A_266 : vector<16xi1>, vector<16xi32>
      %swap3A_268 = arith.constant 1 : i32
      %swap3A_269 = arith.index_cast %swap3A_268 : i32 to index
      %swap3A_270 = arith.constant 48 : index
      %swap3A_271 = tpu.vector_load %arg12[%swap3A_269, %swap3A_270] {strides = array<i32>} : memref<2x128xi32, #tpu.memory_space<vmem>>, vector<1x16xi32>,
      %swap3A_272 = vector.shape_cast %swap3A_271 : vector<1x16xi32> to vector<16xi32>
      %swap3A_273 = vector.shape_cast %select_n3A_267 : vector<16xi32> to vector<1x16xi32>
      tpu.vector_store %arg12[%swap3A_269, %swap3A_270], %swap3A_273 {strides = array<i32>} : memref<2x128xi32, #tpu.memory_space<vmem>>, vector<1x16xi32>,
      %get3A_274 = arith.constant 1 : i32
      %get3A_275 = arith.index_cast %get3A_274 : i32 to index
      %get3A_276 = arith.constant 64 : index
      %get3A_277 = tpu.vector_load %arg14[%get3A_275, %get3A_276] {strides = array<i32>} : memref<2x128xi32, #tpu.memory_space<vmem>>, vector<1x16xi32>,
      %get3A_278 = vector.shape_cast %get3A_277 : vector<1x16xi32> to vector<16xi32>
      %get3A_279 = arith.constant 1 : i32
      %get3A_280 = arith.index_cast %get3A_279 : i32 to index
      %get3A_281 = arith.constant 64 : index
      %get3A_282 = tpu.vector_load %arg11[%get3A_280, %get3A_281] {strides = array<i32>} : memref<2x128xi32, #tpu.memory_space<vmem>>, vector<1x16xi32>,
      %get3A_283 = vector.shape_cast %get3A_282 : vector<1x16xi32> to vector<16xi32>
      %ne3A_284 = arith.constant 0 : i32
      %ne3A_285 = vector.broadcast %ne3A_284 : i32 to vector<16xi32>
      %ne3A_286 = arith.cmpi ne, %get3A_278, %ne3A_285 : vector<16xi32>
      %jit3A_287 = arith.constant 100000 : i32
      %broadcast_in_dim3A_288 = vector.broadcast %jit3A_287 : i32 to vector<16xi32>
      %select_n3A_289 = arith.select %ne3A_286, %get3A_283, %broadcast_in_dim3A_288 : vector<16xi1>, vector<16xi32>
      %swap3A_290 = arith.constant 1 : i32
      %swap3A_291 = arith.index_cast %swap3A_290 : i32 to index
      %swap3A_292 = arith.constant 64 : index
      %swap3A_293 = tpu.vector_load %arg12[%swap3A_291, %swap3A_292] {strides = array<i32>} : memref<2x128xi32, #tpu.memory_space<vmem>>, vector<1x16xi32>,
      %swap3A_294 = vector.shape_cast %swap3A_293 : vector<1x16xi32> to vector<16xi32>
      %swap3A_295 = vector.shape_cast %select_n3A_289 : vector<16xi32> to vector<1x16xi32>
      tpu.vector_store %arg12[%swap3A_291, %swap3A_292], %swap3A_295 {strides = array<i32>} : memref<2x128xi32, #tpu.memory_space<vmem>>, vector<1x16xi32>,
      %get3A_296 = arith.constant 1 : i32
      %get3A_297 = arith.index_cast %get3A_296 : i32 to index
      %get3A_298 = arith.constant 80 : index
      %get3A_299 = tpu.vector_load %arg14[%get3A_297, %get3A_298] {strides = array<i32>} : memref<2x128xi32, #tpu.memory_space<vmem>>, vector<1x16xi32>,
      %get3A_300 = vector.shape_cast %get3A_299 : vector<1x16xi32> to vector<16xi32>
      %get3A_301 = arith.constant 1 : i32
      %get3A_302 = arith.index_cast %get3A_301 : i32 to index
      %get3A_303 = arith.constant 80 : index
      %get3A_304 = tpu.vector_load %arg11[%get3A_302, %get3A_303] {strides = array<i32>} : memref<2x128xi32, #tpu.memory_space<vmem>>, vector<1x16xi32>,
      %get3A_305 = vector.shape_cast %get3A_304 : vector<1x16xi32> to vector<16xi32>
      %ne3A_306 = arith.constant 0 : i32
      %ne3A_307 = vector.broadcast %ne3A_306 : i32 to vector<16xi32>
      %ne3A_308 = arith.cmpi ne, %get3A_300, %ne3A_307 : vector<16xi32>
      %jit3A_309 = arith.constant 100000 : i32
      %broadcast_in_dim3A_310 = vector.broadcast %jit3A_309 : i32 to vector<16xi32>
      %select_n3A_311 = arith.select %ne3A_308, %get3A_305, %broadcast_in_dim3A_310 : vector<16xi1>, vector<16xi32>
      %swap3A_312 = arith.constant 1 : i32
      %swap3A_313 = arith.index_cast %swap3A_312 : i32 to index
      %swap3A_314 = arith.constant 80 : index
      %swap3A_315 = tpu.vector_load %arg12[%swap3A_313, %swap3A_314] {strides = array<i32>} : memref<2x128xi32, #tpu.memory_space<vmem>>, vector<1x16xi32>,
      %swap3A_316 = vector.shape_cast %swap3A_315 : vector<1x16xi32> to vector<16xi32>
      %swap3A_317 = vector.shape_cast %select_n3A_311 : vector<16xi32> to vector<1x16xi32>
      tpu.vector_store %arg12[%swap3A_313, %swap3A_314], %swap3A_317 {strides = array<i32>} : memref<2x128xi32, #tpu.memory_space<vmem>>, vector<1x16xi32>,
      %get3A_318 = arith.constant 1 : i32
      %get3A_319 = arith.index_cast %get3A_318 : i32 to index
      %get3A_320 = arith.constant 96 : index
      %get3A_321 = tpu.vector_load %arg14[%get3A_319, %get3A_320] {strides = array<i32>} : memref<2x128xi32, #tpu.memory_space<vmem>>, vector<1x16xi32>,
      %get3A_322 = vector.shape_cast %get3A_321 : vector<1x16xi32> to vector<16xi32>
      %get3A_323 = arith.constant 1 : i32
      %get3A_324 = arith.index_cast %get3A_323 : i32 to index
      %get3A_325 = arith.constant 96 : index
      %get3A_326 = tpu.vector_load %arg11[%get3A_324, %get3A_325] {strides = array<i32>} : memref<2x128xi32, #tpu.memory_space<vmem>>, vector<1x16xi32>,
      %get3A_327 = vector.shape_cast %get3A_326 : vector<1x16xi32> to vector<16xi32>
      %ne3A_328 = arith.constant 0 : i32
      %ne3A_329 = vector.broadcast %ne3A_328 : i32 to vector<16xi32>
      %ne3A_330 = arith.cmpi ne, %get3A_322, %ne3A_329 : vector<16xi32>
      %jit3A_331 = arith.constant 100000 : i32
      %broadcast_in_dim3A_332 = vector.broadcast %jit3A_331 : i32 to vector<16xi32>
      %select_n3A_333 = arith.select %ne3A_330, %get3A_327, %broadcast_in_dim3A_332 : vector<16xi1>, vector<16xi32>
      %swap3A_334 = arith.constant 1 : i32
      %swap3A_335 = arith.index_cast %swap3A_334 : i32 to index
      %swap3A_336 = arith.constant 96 : index
      %swap3A_337 = tpu.vector_load %arg12[%swap3A_335, %swap3A_336] {strides = array<i32>} : memref<2x128xi32, #tpu.memory_space<vmem>>, vector<1x16xi32>,
      %swap3A_338 = vector.shape_cast %swap3A_337 : vector<1x16xi32> to vector<16xi32>
      %swap3A_339 = vector.shape_cast %select_n3A_333 : vector<16xi32> to vector<1x16xi32>
      tpu.vector_store %arg12[%swap3A_335, %swap3A_336], %swap3A_339 {strides = array<i32>} : memref<2x128xi32, #tpu.memory_space<vmem>>, vector<1x16xi32>,
      %get3A_340 = arith.constant 1 : i32
      %get3A_341 = arith.index_cast %get3A_340 : i32 to index
      %get3A_342 = arith.constant 112 : index
      %get3A_343 = tpu.vector_load %arg14[%get3A_341, %get3A_342] {strides = array<i32>} : memref<2x128xi32, #tpu.memory_space<vmem>>, vector<1x16xi32>,
      %get3A_344 = vector.shape_cast %get3A_343 : vector<1x16xi32> to vector<16xi32>
      %get3A_345 = arith.constant 1 : i32
      %get3A_346 = arith.index_cast %get3A_345 : i32 to index
      %get3A_347 = arith.constant 112 : index
      %get3A_348 = tpu.vector_load %arg11[%get3A_346, %get3A_347] {strides = array<i32>} : memref<2x128xi32, #tpu.memory_space<vmem>>, vector<1x16xi32>,
      %get3A_349 = vector.shape_cast %get3A_348 : vector<1x16xi32> to vector<16xi32>
      %ne3A_350 = arith.constant 0 : i32
      %ne3A_351 = vector.broadcast %ne3A_350 : i32 to vector<16xi32>
      %ne3A_352 = arith.cmpi ne, %get3A_344, %ne3A_351 : vector<16xi32>
      %jit3A_353 = arith.constant 100000 : i32
      %broadcast_in_dim3A_354 = vector.broadcast %jit3A_353 : i32 to vector<16xi32>
      %select_n3A_355 = arith.select %ne3A_352, %get3A_349, %broadcast_in_dim3A_354 : vector<16xi1>, vector<16xi32>
      %swap3A_356 = arith.constant 1 : i32
      %swap3A_357 = arith.index_cast %swap3A_356 : i32 to index
      %swap3A_358 = arith.constant 112 : index
      %swap3A_359 = tpu.vector_load %arg12[%swap3A_357, %swap3A_358] {strides = array<i32>} : memref<2x128xi32, #tpu.memory_space<vmem>>, vector<1x16xi32>,
      %swap3A_360 = vector.shape_cast %swap3A_359 : vector<1x16xi32> to vector<16xi32>
      %swap3A_361 = vector.shape_cast %select_n3A_355 : vector<16xi32> to vector<1x16xi32>
      tpu.vector_store %arg12[%swap3A_357, %swap3A_358], %swap3A_361 {strides = array<i32>} : memref<2x128xi32, #tpu.memory_space<vmem>>, vector<1x16xi32>,
      %dma_start3A = arith.constant 0 : i32
      "tpu.trace_stop"() : () -> ()
      "tpu.trace_start"() <{level = 10 : i32, message = "gathers"}> : () -> ()
      %dma_start3A_362 = arith.constant 0 : i32
      %dma_start3A_363 = arith.constant 0 : i32
      %dma_start3A_364 = tpu.memref_slice %arg15[%dma_start3A_362, %dma_start3A_363] : memref<256x128xf32, #tpu.memory_space<vmem>> -> memref<128x128xf32, #tpu.memory_space<vmem>>
      %dma_start3A_365 = arith.constant 0 : i32
      %dma_start3A_366 = tpu.memref_slice %arg10[%dma_start3A, %dma_start3A_365] : memref<2x128xi32, #tpu.memory_space<vmem>> -> memref<1x128xi32, #tpu.memory_space<vmem>>
      %dma_start3A_367 = tpu.memref_squeeze %dma_start3A_366 : memref<1x128xi32, #tpu.memory_space<vmem>> -> memref<128xi32, #tpu.memory_space<vmem>>
      %dma_start3A_368 = arith.constant 0 : i32
      %dma_start3A_369 = arith.constant 0 : i32
      %dma_start3A_370 = tpu.memref_slice %arg2[%dma_start3A_368, %dma_start3A_369] : memref<100008x128xf32, #tpu.memory_space<hbm>> -> memref<100008x128xf32, #tpu.memory_space<hbm>>
      tpu.enqueue_indirect_dma source(%dma_start3A_370 : memref<100008x128xf32, #tpu.memory_space<hbm>>) target(%dma_start3A_364 : memref<128x128xf32, #tpu.memory_space<vmem>>) offsets(%dma_start3A_367 : memref<128xi32, #tpu.memory_space<vmem>>) semaphore(%arg19 : memref<!tpu.dma_semaphore, #tpu.memory_space<semaphore_mem>>)
      %dma_start3A_371 = arith.constant 0 : i32
      %dma_start3A_372 = arith.constant 0 : i32
      %dma_start3A_373 = arith.constant 0 : i32
      %dma_start3A_374 = tpu.memref_slice %arg16[%dma_start3A_372, %dma_start3A_373] : memref<256x128xf32, #tpu.memory_space<vmem>> -> memref<128x128xf32, #tpu.memory_space<vmem>>
      %dma_start3A_375 = arith.constant 0 : i32
      %dma_start3A_376 = tpu.memref_slice %arg12[%dma_start3A_371, %dma_start3A_375] : memref<2x128xi32, #tpu.memory_space<vmem>> -> memref<1x128xi32, #tpu.memory_space<vmem>>
      %dma_start3A_377 = tpu.memref_squeeze %dma_start3A_376 : memref<1x128xi32, #tpu.memory_space<vmem>> -> memref<128xi32, #tpu.memory_space<vmem>>
      %dma_start3A_378 = arith.constant 0 : i32
      %dma_start3A_379 = arith.constant 0 : i32
      %dma_start3A_380 = tpu.memref_slice %arg2[%dma_start3A_378, %dma_start3A_379] : memref<100008x128xf32, #tpu.memory_space<hbm>> -> memref<100008x128xf32, #tpu.memory_space<hbm>>
      tpu.enqueue_indirect_dma source(%dma_start3A_380 : memref<100008x128xf32, #tpu.memory_space<hbm>>) target(%dma_start3A_374 : memref<128x128xf32, #tpu.memory_space<vmem>>) offsets(%dma_start3A_377 : memref<128xi32, #tpu.memory_space<vmem>>) semaphore(%arg19 : memref<!tpu.dma_semaphore, #tpu.memory_space<semaphore_mem>>)
      %dma_start3A_381 = arith.constant 0 : i32
      %dma_start3A_382 = arith.constant 0 : i32
      %dma_start3A_383 = arith.constant 0 : i32
      %dma_start3A_384 = tpu.memref_slice %arg17[%dma_start3A_382, %dma_start3A_383] : memref<256x8xf32, #tpu.memory_space<vmem>> -> memref<128x8xf32, #tpu.memory_space<vmem>>
      %dma_start3A_385 = arith.constant 0 : i32
      %dma_start3A_386 = tpu.memref_slice %arg13[%dma_start3A_381, %dma_start3A_385] : memref<2x128xi32, #tpu.memory_space<vmem>> -> memref<1x128xi32, #tpu.memory_space<vmem>>
      %dma_start3A_387 = tpu.memref_squeeze %dma_start3A_386 : memref<1x128xi32, #tpu.memory_space<vmem>> -> memref<128xi32, #tpu.memory_space<vmem>>
      %dma_start3A_388 = arith.constant 0 : i32
      %dma_start3A_389 = arith.constant 0 : i32
      %dma_start3A_390 = tpu.memref_slice %arg3[%dma_start3A_388, %dma_start3A_389] : memref<6x8xf32, #tpu.memory_space<hbm>> -> memref<6x8xf32, #tpu.memory_space<hbm>>
      tpu.enqueue_indirect_dma source(%dma_start3A_390 : memref<6x8xf32, #tpu.memory_space<hbm>>) target(%dma_start3A_384 : memref<128x8xf32, #tpu.memory_space<vmem>>) offsets(%dma_start3A_387 : memref<128xi32, #tpu.memory_space<vmem>>) semaphore(%arg19 : memref<!tpu.dma_semaphore, #tpu.memory_space<semaphore_mem>>)
      %dma_start3A_391 = arith.constant 1 : i32
      %dma_start3A_392 = arith.constant 128 : i32
      %dma_start3A_393 = arith.constant 0 : i32
      %dma_start3A_394 = tpu.memref_slice %arg15[%dma_start3A_392, %dma_start3A_393] : memref<256x128xf32, #tpu.memory_space<vmem>> -> memref<128x128xf32, #tpu.memory_space<vmem>>
      %dma_start3A_395 = arith.constant 0 : i32
      %dma_start3A_396 = tpu.memref_slice %arg10[%dma_start3A_391, %dma_start3A_395] : memref<2x128xi32, #tpu.memory_space<vmem>> -> memref<1x128xi32, #tpu.memory_space<vmem>>
      %dma_start3A_397 = tpu.memref_squeeze %dma_start3A_396 : memref<1x128xi32, #tpu.memory_space<vmem>> -> memref<128xi32, #tpu.memory_space<vmem>>
      %dma_start3A_398 = arith.constant 0 : i32
      %dma_start3A_399 = arith.constant 0 : i32
      %dma_start3A_400 = tpu.memref_slice %arg2[%dma_start3A_398, %dma_start3A_399] : memref<100008x128xf32, #tpu.memory_space<hbm>> -> memref<100008x128xf32, #tpu.memory_space<hbm>>
      tpu.enqueue_indirect_dma source(%dma_start3A_400 : memref<100008x128xf32, #tpu.memory_space<hbm>>) target(%dma_start3A_394 : memref<128x128xf32, #tpu.memory_space<vmem>>) offsets(%dma_start3A_397 : memref<128xi32, #tpu.memory_space<vmem>>) semaphore(%arg19 : memref<!tpu.dma_semaphore, #tpu.memory_space<semaphore_mem>>)
      %dma_start3A_401 = arith.constant 1 : i32
      %dma_start3A_402 = arith.constant 128 : i32
      %dma_start3A_403 = arith.constant 0 : i32
      %dma_start3A_404 = tpu.memref_slice %arg16[%dma_start3A_402, %dma_start3A_403] : memref<256x128xf32, #tpu.memory_space<vmem>> -> memref<128x128xf32, #tpu.memory_space<vmem>>
      %dma_start3A_405 = arith.constant 0 : i32
      %dma_start3A_406 = tpu.memref_slice %arg12[%dma_start3A_401, %dma_start3A_405] : memref<2x128xi32, #tpu.memory_space<vmem>> -> memref<1x128xi32, #tpu.memory_space<vmem>>
      %dma_start3A_407 = tpu.memref_squeeze %dma_start3A_406 : memref<1x128xi32, #tpu.memory_space<vmem>> -> memref<128xi32, #tpu.memory_space<vmem>>
      %dma_start3A_408 = arith.constant 0 : i32
      %dma_start3A_409 = arith.constant 0 : i32
      %dma_start3A_410 = tpu.memref_slice %arg2[%dma_start3A_408, %dma_start3A_409] : memref<100008x128xf32, #tpu.memory_space<hbm>> -> memref<100008x128xf32, #tpu.memory_space<hbm>>
      tpu.enqueue_indirect_dma source(%dma_start3A_410 : memref<100008x128xf32, #tpu.memory_space<hbm>>) target(%dma_start3A_404 : memref<128x128xf32, #tpu.memory_space<vmem>>) offsets(%dma_start3A_407 : memref<128xi32, #tpu.memory_space<vmem>>) semaphore(%arg19 : memref<!tpu.dma_semaphore, #tpu.memory_space<semaphore_mem>>)
      %dma_start3A_411 = arith.constant 1 : i32
      %dma_start3A_412 = arith.constant 128 : i32
      %dma_start3A_413 = arith.constant 0 : i32
      %dma_start3A_414 = tpu.memref_slice %arg17[%dma_start3A_412, %dma_start3A_413] : memref<256x8xf32, #tpu.memory_space<vmem>> -> memref<128x8xf32, #tpu.memory_space<vmem>>
      %dma_start3A_415 = arith.constant 0 : i32
      %dma_start3A_416 = tpu.memref_slice %arg13[%dma_start3A_411, %dma_start3A_415] : memref<2x128xi32, #tpu.memory_space<vmem>> -> memref<1x128xi32, #tpu.memory_space<vmem>>
      %dma_start3A_417 = tpu.memref_squeeze %dma_start3A_416 : memref<1x128xi32, #tpu.memory_space<vmem>> -> memref<128xi32, #tpu.memory_space<vmem>>
      %dma_start3A_418 = arith.constant 0 : i32
      %dma_start3A_419 = arith.constant 0 : i32
      %dma_start3A_420 = tpu.memref_slice %arg3[%dma_start3A_418, %dma_start3A_419] : memref<6x8xf32, #tpu.memory_space<hbm>> -> memref<6x8xf32, #tpu.memory_space<hbm>>
      tpu.enqueue_indirect_dma source(%dma_start3A_420 : memref<6x8xf32, #tpu.memory_space<hbm>>) target(%dma_start3A_414 : memref<128x8xf32, #tpu.memory_space<vmem>>) offsets(%dma_start3A_417 : memref<128xi32, #tpu.memory_space<vmem>>) semaphore(%arg19 : memref<!tpu.dma_semaphore, #tpu.memory_space<semaphore_mem>>)
      %dma_wait3A = arith.constant 0 : i32
      %dma_wait3A_421 = arith.constant 0 : i32
      %dma_wait3A_422 = arith.constant 0 : i32
      %dma_wait3A_423 = tpu.memref_slice %arg15[%dma_wait3A_421, %dma_wait3A_422] : memref<256x128xf32, #tpu.memory_space<vmem>> -> memref<128x128xf32, #tpu.memory_space<vmem>>
      %dma_wait3A_424 = arith.constant 0 : i32
      %dma_wait3A_425 = tpu.memref_slice %arg10[%dma_wait3A, %dma_wait3A_424] : memref<2x128xi32, #tpu.memory_space<vmem>> -> memref<1x128xi32, #tpu.memory_space<vmem>>
      %dma_wait3A_426 = tpu.memref_squeeze %dma_wait3A_425 : memref<1x128xi32, #tpu.memory_space<vmem>> -> memref<128xi32, #tpu.memory_space<vmem>>
      %dma_wait3A_427 = arith.constant 0 : i32
      %dma_wait3A_428 = arith.constant 0 : i32
      %dma_wait3A_429 = tpu.memref_slice %arg2[%dma_wait3A_427, %dma_wait3A_428] : memref<100008x128xf32, #tpu.memory_space<hbm>> -> memref<100008x128xf32, #tpu.memory_space<hbm>>
      tpu.wait_indirect_dma semaphore(%arg19 : memref<!tpu.dma_semaphore, #tpu.memory_space<semaphore_mem>>) src(%dma_wait3A_429 : memref<100008x128xf32, #tpu.memory_space<hbm>>) dst(%dma_wait3A_423 : memref<128x128xf32, #tpu.memory_space<vmem>>)
      %dma_wait3A_430 = arith.constant 0 : i32
      %dma_wait3A_431 = arith.constant 0 : i32
      %dma_wait3A_432 = arith.constant 0 : i32
      %dma_wait3A_433 = tpu.memref_slice %arg16[%dma_wait3A_431, %dma_wait3A_432] : memref<256x128xf32, #tpu.memory_space<vmem>> -> memref<128x128xf32, #tpu.memory_space<vmem>>
      %dma_wait3A_434 = arith.constant 0 : i32
      %dma_wait3A_435 = tpu.memref_slice %arg12[%dma_wait3A_430, %dma_wait3A_434] : memref<2x128xi32, #tpu.memory_space<vmem>> -> memref<1x128xi32, #tpu.memory_space<vmem>>
      %dma_wait3A_436 = tpu.memref_squeeze %dma_wait3A_435 : memref<1x128xi32, #tpu.memory_space<vmem>> -> memref<128xi32, #tpu.memory_space<vmem>>
      %dma_wait3A_437 = arith.constant 0 : i32
      %dma_wait3A_438 = arith.constant 0 : i32
      %dma_wait3A_439 = tpu.memref_slice %arg2[%dma_wait3A_437, %dma_wait3A_438] : memref<100008x128xf32, #tpu.memory_space<hbm>> -> memref<100008x128xf32, #tpu.memory_space<hbm>>
      tpu.wait_indirect_dma semaphore(%arg19 : memref<!tpu.dma_semaphore, #tpu.memory_space<semaphore_mem>>) src(%dma_wait3A_439 : memref<100008x128xf32, #tpu.memory_space<hbm>>) dst(%dma_wait3A_433 : memref<128x128xf32, #tpu.memory_space<vmem>>)
      %dma_wait3A_440 = arith.constant 0 : i32
      %dma_wait3A_441 = arith.constant 0 : i32
      %dma_wait3A_442 = arith.constant 0 : i32
      %dma_wait3A_443 = tpu.memref_slice %arg17[%dma_wait3A_441, %dma_wait3A_442] : memref<256x8xf32, #tpu.memory_space<vmem>> -> memref<128x8xf32, #tpu.memory_space<vmem>>
      %dma_wait3A_444 = arith.constant 0 : i32
      %dma_wait3A_445 = tpu.memref_slice %arg13[%dma_wait3A_440, %dma_wait3A_444] : memref<2x128xi32, #tpu.memory_space<vmem>> -> memref<1x128xi32, #tpu.memory_space<vmem>>
      %dma_wait3A_446 = tpu.memref_squeeze %dma_wait3A_445 : memref<1x128xi32, #tpu.memory_space<vmem>> -> memref<128xi32, #tpu.memory_space<vmem>>
      %dma_wait3A_447 = arith.constant 0 : i32
      %dma_wait3A_448 = arith.constant 0 : i32
      %dma_wait3A_449 = tpu.memref_slice %arg3[%dma_wait3A_447, %dma_wait3A_448] : memref<6x8xf32, #tpu.memory_space<hbm>> -> memref<6x8xf32, #tpu.memory_space<hbm>>
      tpu.wait_indirect_dma semaphore(%arg19 : memref<!tpu.dma_semaphore, #tpu.memory_space<semaphore_mem>>) src(%dma_wait3A_449 : memref<6x8xf32, #tpu.memory_space<hbm>>) dst(%dma_wait3A_443 : memref<128x8xf32, #tpu.memory_space<vmem>>)
      %dma_wait3A_450 = arith.constant 1 : i32
      %dma_wait3A_451 = arith.constant 128 : i32
      %dma_wait3A_452 = arith.constant 0 : i32
      %dma_wait3A_453 = tpu.memref_slice %arg15[%dma_wait3A_451, %dma_wait3A_452] : memref<256x128xf32, #tpu.memory_space<vmem>> -> memref<128x128xf32, #tpu.memory_space<vmem>>
      %dma_wait3A_454 = arith.constant 0 : i32
      %dma_wait3A_455 = tpu.memref_slice %arg10[%dma_wait3A_450, %dma_wait3A_454] : memref<2x128xi32, #tpu.memory_space<vmem>> -> memref<1x128xi32, #tpu.memory_space<vmem>>
      %dma_wait3A_456 = tpu.memref_squeeze %dma_wait3A_455 : memref<1x128xi32, #tpu.memory_space<vmem>> -> memref<128xi32, #tpu.memory_space<vmem>>
      %dma_wait3A_457 = arith.constant 0 : i32
      %dma_wait3A_458 = arith.constant 0 : i32
      %dma_wait3A_459 = tpu.memref_slice %arg2[%dma_wait3A_457, %dma_wait3A_458] : memref<100008x128xf32, #tpu.memory_space<hbm>> -> memref<100008x128xf32, #tpu.memory_space<hbm>>
      tpu.wait_indirect_dma semaphore(%arg19 : memref<!tpu.dma_semaphore, #tpu.memory_space<semaphore_mem>>) src(%dma_wait3A_459 : memref<100008x128xf32, #tpu.memory_space<hbm>>) dst(%dma_wait3A_453 : memref<128x128xf32, #tpu.memory_space<vmem>>)
      %dma_wait3A_460 = arith.constant 1 : i32
      %dma_wait3A_461 = arith.constant 128 : i32
      %dma_wait3A_462 = arith.constant 0 : i32
      %dma_wait3A_463 = tpu.memref_slice %arg16[%dma_wait3A_461, %dma_wait3A_462] : memref<256x128xf32, #tpu.memory_space<vmem>> -> memref<128x128xf32, #tpu.memory_space<vmem>>
      %dma_wait3A_464 = arith.constant 0 : i32
      %dma_wait3A_465 = tpu.memref_slice %arg12[%dma_wait3A_460, %dma_wait3A_464] : memref<2x128xi32, #tpu.memory_space<vmem>> -> memref<1x128xi32, #tpu.memory_space<vmem>>
      %dma_wait3A_466 = tpu.memref_squeeze %dma_wait3A_465 : memref<1x128xi32, #tpu.memory_space<vmem>> -> memref<128xi32, #tpu.memory_space<vmem>>
      %dma_wait3A_467 = arith.constant 0 : i32
      %dma_wait3A_468 = arith.constant 0 : i32
      %dma_wait3A_469 = tpu.memref_slice %arg2[%dma_wait3A_467, %dma_wait3A_468] : memref<100008x128xf32, #tpu.memory_space<hbm>> -> memref<100008x128xf32, #tpu.memory_space<hbm>>
      tpu.wait_indirect_dma semaphore(%arg19 : memref<!tpu.dma_semaphore, #tpu.memory_space<semaphore_mem>>) src(%dma_wait3A_469 : memref<100008x128xf32, #tpu.memory_space<hbm>>) dst(%dma_wait3A_463 : memref<128x128xf32, #tpu.memory_space<vmem>>)
      %dma_wait3A_470 = arith.constant 1 : i32
      %dma_wait3A_471 = arith.constant 128 : i32
      %dma_wait3A_472 = arith.constant 0 : i32
      %dma_wait3A_473 = tpu.memref_slice %arg17[%dma_wait3A_471, %dma_wait3A_472] : memref<256x8xf32, #tpu.memory_space<vmem>> -> memref<128x8xf32, #tpu.memory_space<vmem>>
      %dma_wait3A_474 = arith.constant 0 : i32
      %dma_wait3A_475 = tpu.memref_slice %arg13[%dma_wait3A_470, %dma_wait3A_474] : memref<2x128xi32, #tpu.memory_space<vmem>> -> memref<1x128xi32, #tpu.memory_space<vmem>>
      %dma_wait3A_476 = tpu.memref_squeeze %dma_wait3A_475 : memref<1x128xi32, #tpu.memory_space<vmem>> -> memref<128xi32, #tpu.memory_space<vmem>>
      %dma_wait3A_477 = arith.constant 0 : i32
      %dma_wait3A_478 = arith.constant 0 : i32
      %dma_wait3A_479 = tpu.memref_slice %arg3[%dma_wait3A_477, %dma_wait3A_478] : memref<6x8xf32, #tpu.memory_space<hbm>> -> memref<6x8xf32, #tpu.memory_space<hbm>>
      tpu.wait_indirect_dma semaphore(%arg19 : memref<!tpu.dma_semaphore, #tpu.memory_space<semaphore_mem>>) src(%dma_wait3A_479 : memref<6x8xf32, #tpu.memory_space<hbm>>) dst(%dma_wait3A_473 : memref<128x8xf32, #tpu.memory_space<vmem>>)
      "tpu.trace_stop"() : () -> ()
      "tpu.trace_start"() <{level = 10 : i32, message = "out_copies"}> : () -> ()
      "tpu.region"() ({
        %run_scoped3A = tpu.sem_alloc : memref<!tpu.dma_semaphore, #tpu.memory_space<semaphore_mem>>
        %dma_start3A_480 = arith.constant 0 : i32
        %dma_start3A_481 = arith.constant 0 : i32
        %dma_start3A_482 = tpu.memref_slice %arg15[%dma_start3A_480, %dma_start3A_481] : memref<256x128xf32, #tpu.memory_space<vmem>> -> memref<256x64xf32, #tpu.memory_space<vmem>>
        %dma_start3A_483 = arith.constant 0 : i32
        %dma_start3A_484 = tpu.memref_slice %arg9[%add3A_10, %dma_start3A_483] : memref<327680x138xf32, #tpu.memory_space<hbm>> -> memref<256x64xf32, #tpu.memory_space<hbm>>
        %dma_start3A_485 = arith.constant 0 : i32
        %dma_start3A_486 = tpu.memref_slice %arg9[%add3A_10, %dma_start3A_485] : memref<327680x138xf32, #tpu.memory_space<hbm>> -> memref<256x64xf32, #tpu.memory_space<hbm>>
        %dma_start3A_487 = arith.constant 0 : i32
        %dma_start3A_488 = arith.constant 0 : i32
        %dma_start3A_489 = tpu.memref_slice %arg15[%dma_start3A_487, %dma_start3A_488] : memref<256x128xf32, #tpu.memory_space<vmem>> -> memref<256x64xf32, #tpu.memory_space<vmem>>
        tpu.enqueue_dma source(%dma_start3A_489 : memref<256x64xf32, #tpu.memory_space<vmem>>) target(%dma_start3A_486 : memref<256x64xf32, #tpu.memory_space<hbm>>) target_semaphore(%run_scoped3A : memref<!tpu.dma_semaphore, #tpu.memory_space<semaphore_mem>>)
        %dma_wait3A_490 = arith.constant 0 : i32
        %dma_wait3A_491 = arith.constant 0 : i32
        %dma_wait3A_492 = tpu.memref_slice %arg15[%dma_wait3A_490, %dma_wait3A_491] : memref<256x128xf32, #tpu.memory_space<vmem>> -> memref<256x64xf32, #tpu.memory_space<vmem>>
        %dma_wait3A_493 = arith.constant 0 : i32
        %dma_wait3A_494 = tpu.memref_slice %arg9[%add3A_10, %dma_wait3A_493] : memref<327680x138xf32, #tpu.memory_space<hbm>> -> memref<256x64xf32, #tpu.memory_space<hbm>>
        %dma_wait3A_495 = arith.constant 0 : i32
        %dma_wait3A_496 = tpu.memref_slice %arg9[%add3A_10, %dma_wait3A_495] : memref<327680x138xf32, #tpu.memory_space<hbm>> -> memref<256x64xf32, #tpu.memory_space<hbm>>
        %dma_wait3A_497 = arith.constant 0 : i32
        %dma_wait3A_498 = arith.constant 0 : i32
        %dma_wait3A_499 = tpu.memref_slice %arg15[%dma_wait3A_497, %dma_wait3A_498] : memref<256x128xf32, #tpu.memory_space<vmem>> -> memref<256x64xf32, #tpu.memory_space<vmem>>
        tpu.wait_dma2 semaphore(%run_scoped3A : memref<!tpu.dma_semaphore, #tpu.memory_space<semaphore_mem>>) src(%dma_wait3A_499 : memref<256x64xf32, #tpu.memory_space<vmem>>) dst(%dma_wait3A_496 : memref<256x64xf32, #tpu.memory_space<hbm>>)
        tpu.yield
      }) : () -> ()
      "tpu.region"() ({
        %run_scoped3A = tpu.sem_alloc : memref<!tpu.dma_semaphore, #tpu.memory_space<semaphore_mem>>
        %dma_start3A_480 = arith.constant 64 : i32
        %dma_start3A_481 = tpu.memref_slice %arg9[%add3A_10, %dma_start3A_480] : memref<327680x138xf32, #tpu.memory_space<hbm>> -> memref<256x8xf32, #tpu.memory_space<hbm>>
        %dma_start3A_482 = arith.constant 64 : i32
        %dma_start3A_483 = tpu.memref_slice %arg9[%add3A_10, %dma_start3A_482] : memref<327680x138xf32, #tpu.memory_space<hbm>> -> memref<256x8xf32, #tpu.memory_space<hbm>>
        tpu.enqueue_dma source(%arg17 : memref<256x8xf32, #tpu.memory_space<vmem>>) target(%dma_start3A_483 : memref<256x8xf32, #tpu.memory_space<hbm>>) target_semaphore(%run_scoped3A : memref<!tpu.dma_semaphore, #tpu.memory_space<semaphore_mem>>)
        %dma_wait3A_484 = arith.constant 64 : i32
        %dma_wait3A_485 = tpu.memref_slice %arg9[%add3A_10, %dma_wait3A_484] : memref<327680x138xf32, #tpu.memory_space<hbm>> -> memref<256x8xf32, #tpu.memory_space<hbm>>
        %dma_wait3A_486 = arith.constant 64 : i32
        %dma_wait3A_487 = tpu.memref_slice %arg9[%add3A_10, %dma_wait3A_486] : memref<327680x138xf32, #tpu.memory_space<hbm>> -> memref<256x8xf32, #tpu.memory_space<hbm>>
        tpu.wait_dma2 semaphore(%run_scoped3A : memref<!tpu.dma_semaphore, #tpu.memory_space<semaphore_mem>>) src(%arg17 : memref<256x8xf32, #tpu.memory_space<vmem>>) dst(%dma_wait3A_487 : memref<256x8xf32, #tpu.memory_space<hbm>>)
        tpu.yield
      }) : () -> ()
      "tpu.region"() ({
        %run_scoped3A = tpu.sem_alloc : memref<!tpu.dma_semaphore, #tpu.memory_space<semaphore_mem>>
        %dma_start3A_480 = arith.constant 0 : i32
        %dma_start3A_481 = arith.constant 0 : i32
        %dma_start3A_482 = tpu.memref_slice %arg16[%dma_start3A_480, %dma_start3A_481] : memref<256x128xf32, #tpu.memory_space<vmem>> -> memref<256x64xf32, #tpu.memory_space<vmem>>
        %dma_start3A_483 = arith.constant 72 : i32
        %dma_start3A_484 = tpu.memref_slice %arg9[%add3A_10, %dma_start3A_483] : memref<327680x138xf32, #tpu.memory_space<hbm>> -> memref<256x64xf32, #tpu.memory_space<hbm>>
        %dma_start3A_485 = arith.constant 72 : i32
        %dma_start3A_486 = tpu.memref_slice %arg9[%add3A_10, %dma_start3A_485] : memref<327680x138xf32, #tpu.memory_space<hbm>> -> memref<256x64xf32, #tpu.memory_space<hbm>>
        %dma_start3A_487 = arith.constant 0 : i32
        %dma_start3A_488 = arith.constant 0 : i32
        %dma_start3A_489 = tpu.memref_slice %arg16[%dma_start3A_487, %dma_start3A_488] : memref<256x128xf32, #tpu.memory_space<vmem>> -> memref<256x64xf32, #tpu.memory_space<vmem>>
        tpu.enqueue_dma source(%dma_start3A_489 : memref<256x64xf32, #tpu.memory_space<vmem>>) target(%dma_start3A_486 : memref<256x64xf32, #tpu.memory_space<hbm>>) target_semaphore(%run_scoped3A : memref<!tpu.dma_semaphore, #tpu.memory_space<semaphore_mem>>)
        %dma_wait3A_490 = arith.constant 0 : i32
        %dma_wait3A_491 = arith.constant 0 : i32
        %dma_wait3A_492 = tpu.memref_slice %arg16[%dma_wait3A_490, %dma_wait3A_491] : memref<256x128xf32, #tpu.memory_space<vmem>> -> memref<256x64xf32, #tpu.memory_space<vmem>>
        %dma_wait3A_493 = arith.constant 72 : i32
        %dma_wait3A_494 = tpu.memref_slice %arg9[%add3A_10, %dma_wait3A_493] : memref<327680x138xf32, #tpu.memory_space<hbm>> -> memref<256x64xf32, #tpu.memory_space<hbm>>
        %dma_wait3A_495 = arith.constant 72 : i32
        %dma_wait3A_496 = tpu.memref_slice %arg9[%add3A_10, %dma_wait3A_495] : memref<327680x138xf32, #tpu.memory_space<hbm>> -> memref<256x64xf32, #tpu.memory_space<hbm>>
        %dma_wait3A_497 = arith.constant 0 : i32
        %dma_wait3A_498 = arith.constant 0 : i32
        %dma_wait3A_499 = tpu.memref_slice %arg16[%dma_wait3A_497, %dma_wait3A_498] : memref<256x128xf32, #tpu.memory_space<vmem>> -> memref<256x64xf32, #tpu.memory_space<vmem>>
        tpu.wait_dma2 semaphore(%run_scoped3A : memref<!tpu.dma_semaphore, #tpu.memory_space<semaphore_mem>>) src(%dma_wait3A_499 : memref<256x64xf32, #tpu.memory_space<vmem>>) dst(%dma_wait3A_496 : memref<256x64xf32, #tpu.memory_space<hbm>>)
        tpu.yield
      }) : () -> ()
      "tpu.region"() ({
        %run_scoped3A = tpu.sem_alloc : memref<!tpu.dma_semaphore, #tpu.memory_space<semaphore_mem>>
        %dma_start3A_480 = arith.constant 136 : i32
        %dma_start3A_481 = tpu.memref_slice %arg9[%add3A_10, %dma_start3A_480] : memref<327680x138xf32, #tpu.memory_space<hbm>> -> memref<256x2xf32, #tpu.memory_space<hbm>>
        %dma_start3A_482 = arith.constant 136 : i32
        %dma_start3A_483 = tpu.memref_slice %arg9[%add3A_10, %dma_start3A_482] : memref<327680x138xf32, #tpu.memory_space<hbm>> -> memref<256x2xf32, #tpu.memory_space<hbm>>
        tpu.enqueue_dma source(%arg18 : memref<256x2xf32, #tpu.memory_space<vmem>>) target(%dma_start3A_483 : memref<256x2xf32, #tpu.memory_space<hbm>>) target_semaphore(%run_scoped3A : memref<!tpu.dma_semaphore, #tpu.memory_space<semaphore_mem>>)
        %dma_wait3A_484 = arith.constant 136 : i32
        %dma_wait3A_485 = tpu.memref_slice %arg9[%add3A_10, %dma_wait3A_484] : memref<327680x138xf32, #tpu.memory_space<hbm>> -> memref<256x2xf32, #tpu.memory_space<hbm>>
        %dma_wait3A_486 = arith.constant 136 : i32
        %dma_wait3A_487 = tpu.memref_slice %arg9[%add3A_10, %dma_wait3A_486] : memref<327680x138xf32, #tpu.memory_space<hbm>> -> memref<256x2xf32, #tpu.memory_space<hbm>>
        tpu.wait_dma2 semaphore(%run_scoped3A : memref<!tpu.dma_semaphore, #tpu.memory_space<semaphore_mem>>) src(%arg18 : memref<256x2xf32, #tpu.memory_space<vmem>>) dst(%dma_wait3A_487 : memref<256x2xf32, #tpu.memory_space<hbm>>)
        tpu.yield
      }) : () -> ()
      "tpu.trace_stop"() : () -> ()
    }
    %scan3A_4 = arith.constant 40 : i32
    return
  }
}

</mosaic_0001>

<sc_bundles>
// kernel: _encode.3.cloned.1.call-start
scs
__scs_entry_jumppad:
0x0: {  	(pc) =	sbr.rel $0x88, $3  }
0x1: {  	(tag) =	ssettag $0x0;
	lr =	simm.s32 $0x1  }
0x2: {  	[smem:$0x3F9A] =	sst lr;
	_ =	strace $0xD0000000  }
0x3: {  	_ = 	snop  }
0x4: {  	_ = 	snop  }
0x5: {  	_ = 	snop  }
0x6: {  	_ = 	snop  }
0x7: {  	_ = 	snop  }
__scs_overlays_trampoline_lowered:
0x8: {  	[smem:$0x3FA9] =	sst s0  }
0x9: {  	[smem:$0x3FAA] =	sst s1  }
0xa: {  	[smem:$0x3FAB] =	sst s2  }
0xb: {  	[smem:$0x3FAC] =	sst s3  }
0xc: {  	[smem:$0x3FAD] =	sst s4  }
0xd: {  	[smem:$0x3FAE] =	sst s5  }
0xe: {  	[smem:$0x3FAF] =	sst s6  }
0xf: {  	[smem:$0x3FB0] =	sst s7  }
0x10: {  	[smem:$0x3FB1] =	sst s8  }
0x11: {  	[smem:$0x3FB2] =	sst s9;
	s0 =	simm.s32 @!p0 $0x0  }
0x12: {  	s1 =	sld [smem:$0x3F98];
	s0 =	simm.s32 @p0 $0x1  }
0x13: {  	[smem:$0x3FB3] =	sst s0;
	s0 =	simm.s32 @!p1 $0x0  }
0x14: {  	s2 =	sld [smem:$0x3F97];
	s0 =	simm.s32 @p1 $0x1  }
0x15: {  	[smem:$0x3FB4] =	sst s0;
	s0 =	simm.s32 @!p2 $0x0  }
0x16: {  	s3 =	sld [smem:$0x3FDB];
	s0 =	simm.s32 @p2 $0x1  }
0x17: {  	s4 =	simm.s32 $0x1BF5;
	[smem:$0x3FB6] =	sst s0  }
0x18: {  	s0 =	sld [smem:$0x3F99];
	_ =	swait.ge [sflag:s4], $0x0  }
0x19: {  	s7 =	sld [smem:$0x3F9A]  }
0x1a: {  	s8 =	sadd.s32 $0xFFFFE003, lr  }
0x1b: {  	s9 =	sadd.s32 $0xFFFFFEF7, lr;
	s5 =	simm.s32 $0xFFFFFFFF;
	p2 =	slt.u32 s8, $0xFFFFF086  }
0x1c: {  	p1 =	slt.u32 s9, $0xF7A;
	s5 =	simm.s32 @!p2 $0x0  }
0x1d: {  	s5 =	simm.s32 @p1 $0x1;
	p0 =	seq.s32 s7, s2  }
0x1e: {  	s7 =	smul.u32 @!p0 $0xF7A, s2;
	p2 =	seq.s32 @!p0 s5, $0x0  }
0x1f: {  	s9 =	smul.u32 $0xF7A, s1;
	s8 =	simm.s32 @!p0 $0x1BF5;
	p2 =	por !p2, p0  }
0x20: {  	[sflag:s8] =	ssyncset.s32 @!p0 $0xFFFFF086;
	s6 =	sadd.s32 @!p0 s3, s7;
	s7 =	simm.s32 @!p0 $0x108  }
0x21: {  	s3 =	sadd.s32 s3, s9;
	s6 =	sadd.s32 @!p0 $0x88, s6;
	s7 =	simm.s32 @p2 $0x1082  }
0x22: {  	[simem:s7], [sflag:s8] =	dma.local @!p0 [hbm:s6], $0xF7A  }
0x23: {  	s9 =	sor.u32 $0xD0000000, s2;
	s6 =	simm.s32 $0x108;
	_ =	swait.ge @!p0 [sflag:s8], $0x0  }
0x24: {  	s3 =	sadd.s32 $0x88, s3;
	s6 =	simm.s32 @!p1 $0x1082;
	[sflag:s4] =	ssyncset.s32 $0xFFFFF086  }
0x25: {  	[simem:s6], [sflag:s4] =	dma.local [hbm:s3], $0xF7A  }
0x26: {  	[smem:$0x3F9A] =	sst s1;
	(tag) =	ssettag s2;
	_ =	strace s9  }
0x27: {  	s1 =	sld [smem:$0x3FAA]  }
0x28: {  	s2 =	sld [smem:$0x3FAB]  }
0x29: {  	s4 =	sld [smem:$0x3FAD]  }
0x2a: {  	p0 =	seq.s32 s5, $0x0;
	s5 =	sld [smem:$0x3FAE]  }
0x2b: {  	s6 =	sld [smem:$0x3FAF]  }
0x2c: {  	s7 =	sld [smem:$0x3FB0]  }
0x2d: {  	s3 =	simm.s32 $0x108;
	s8 =	sld [smem:$0x3FB1]  }
0x2e: {  	s3 =	simm.s32 @!p0 $0x1082;
	s9 =	sld [smem:$0x3FB2]  }
0x2f: {  	lr =	sadd.s32 s0, s3;
	s0 =	sld [smem:$0x3FA9]  }
0x30: {  	s3 =	sld [smem:$0x3FAC]  }
0x31: {  	[smem:$0x3FB5] =	sst s10  }
0x32: {  	s10 =	sld [smem:$0x3FB3];
	_ =	sdelay $0x3  }
0x33: {  	p0 =	seq.s32 s10, $0x1;
	s10 =	sld [smem:$0x3FB5];
	_ =	sdelay $0x3  }
0x34: {  	[smem:$0x3FB5] =	sst s10  }
0x35: {  	s10 =	sld [smem:$0x3FB4];
	_ =	sdelay $0x3  }
0x36: {  	p1 =	seq.s32 s10, $0x1;
	s10 =	sld [smem:$0x3FB5];
	_ =	sdelay $0x3  }
0x37: {  	[smem:$0x3FB5] =	sst s10  }
0x38: {  	s10 =	sld [smem:$0x3FB6]  }
0x39: {  	_ = 	snop;
	(pc) =	sbr.ind lr, $3  }
0x3a: {  	_ = 	snop  }
0x3b: {  	_ = 	snop  }
0x3c: {  	p2 =	seq.s32 s10, $0x1;
	s10 =	sld [smem:$0x3FB5]  }
0x3d: {  	_ =	shalt  }
0x3e: {  	_ =	shalt  }
0x3f: {  	_ =	shalt  }
0x40: {  	_ =	shalt  }
0x41: {  	_ =	shalt  }
0x42: {  	_ =	shalt  }
0x43: {  	_ =	shalt  }
0x44: {  	_ =	shalt  }
0x45: {  	_ =	shalt  }
0x46: {  	_ =	shalt  }
0x47: {  	_ =	shalt  }
0x48: {  	_ =	shalt  }
0x49: {  	_ =	shalt  }
0x4a: {  	_ =	shalt  }
0x4b: {  	_ =	shalt  }
0x4c: {  	_ =	shalt  }
0x4d: {  	_ =	shalt  }
0x4e: {  	_ =	shalt  }
0x4f: {  	_ =	shalt  }
0x50: {  	_ =	shalt  }
0x51: {  	_ =	shalt  }
0x52: {  	_ =	shalt  }
0x53: {  	_ =	shalt  }
0x54: {  	_ =	shalt  }
0x55: {  	_ =	shalt  }
0x56: {  	_ =	shalt  }
0x57: {  	_ =	shalt  }
0x58: {  	_ =	shalt  }
0x59: {  	_ =	shalt  }
0x5a: {  	_ =	shalt  }
0x5b: {  	_ =	shalt  }
0x5c: {  	_ =	shalt  }
0x5d: {  	_ =	shalt  }
0x5e: {  	_ =	shalt  }
0x5f: {  	_ =	shalt  }
0x60: {  	_ =	shalt  }
0x61: {  	_ =	shalt  }
0x62: {  	_ =	shalt  }
0x63: {  	_ =	shalt  }
0x64: {  	_ =	shalt  }
0x65: {  	_ =	shalt  }
0x66: {  	_ =	shalt  }
0x67: {  	_ =	shalt  }
0x68: {  	_ =	shalt  }
0x69: {  	_ =	shalt  }
0x6a: {  	_ =	shalt  }
0x6b: {  	_ =	shalt  }
0x6c: {  	_ =	shalt  }
0x6d: {  	_ =	shalt  }
0x6e: {  	_ =	shalt  }
0x6f: {  	_ =	shalt  }
0x70: {  	_ =	shalt  }
0x71: {  	_ =	shalt  }
0x72: {  	_ =	shalt  }
0x73: {  	_ =	shalt  }
0x74: {  	_ =	shalt  }
0x75: {  	_ =	shalt  }
0x76: {  	_ =	shalt  }
0x77: {  	_ =	shalt  }
0x78: {  	_ =	shalt  }
0x79: {  	_ =	shalt  }
0x7a: {  	_ =	shalt  }
0x7b: {  	_ =	shalt  }
0x7c: {  	_ =	shalt  }
0x7d: {  	_ =	shalt  }
0x7e: {  	_ =	shalt  }
0x7f: {  	_ =	shalt  }
0x80: {  	_ =	shalt  }
0x81: {  	_ =	shalt  }
0x82: {  	_ =	shalt  }
0x83: {  	_ =	shalt  }
0x84: {  	_ =	shalt  }
0x85: {  	_ =	shalt  }
0x86: {  	_ =	shalt  }
0x87: {  	_ =	shalt  }
.Lfunc_end0:
.L_simem_size_0:
called_computation.1_lowered:
.L_overlay_start_0:
0x88: {  	s2 =	sld [smem:$0x3FD9]  }
0x89: {  	s3 =	sld [smem:$0x3FFE];
	_ =	sdelay $0x1  }
0x8a: {  	s1 =	srdreg.scid  }
0x8b: {  	s0 =	sand.u32 $0x1, s1  }
0x8c: {  	s17 =	sshll.u32 s0, $0xA;
	s2 =	sadd.s32 s3, s2  }
0x8d: {  	s2 =	sadd.s32 s2, s17  }
0x8e: {  	[smem:$0x3FC1] =	sst s2  }
0x8f: {  	_ = 	snop  }
0x90: {  	s2 =	sld [smem:$0x3FC9]  }
0x91: {  	s18 =	sld [smem:$0x3FC7]  }
0x92: {  	s4 =	sld [smem:$0x3FC6]  }
0x93: {  	s5 =	sld [smem:$0x3FC5]  }
0x94: {  	s6 =	sld [smem:$0x3FC4]  }
0x95: {  	s7 =	sld [smem:$0x3FD0];
	(tm) =	ssettm $0x1  }
0x96: {  	s8 =	sld [smem:$0x3FFB];
	_ =	sdelay $0x3  }
0x97: {  	_ =	strace s8  }
0x98: {  	s8 =	sld [smem:$0x3FFC];
	_ =	sdelay $0x3  }
0x99: {  	_ =	strace s8  }
0x9a: {  	s8 =	sld [smem:$0x3FFD];
	_ =	sdelay $0x3  }
0x9b: {  	_ =	strace s8  }
0x9c: {  	_ =	strace $0x8FFFFFFF  }
0x9d: {  	s19 =	sld [smem:$0x3FDB];
	_ =	sdelay $0x1  }
0x9e: {  	s9 =	simm.s32 $_scs_section_size  }
0x9f: {  	s10 =	simm.s32 $_size__tile_overlayer_lowered;
	s11 =	simm.s32 $_tile_overlayer_lowered  }
0xa0: {  	s22 =	simm.s32 $0x1BFF;
	s21 =	sshll.u32 s11, $0x1;
	s8 =	sadd.s32 s9, s19  }
0xa1: {  	s12 =	simm.s32 $0x0;
	s20 =	sshll.u32 s10, $0x1;
	s10 =	sadd.s32 s21, s8  }
0xa2: {  	[timem:s12], [sflag:s22] =	dma.local [hbm:s10], s20  }
0xa3: {  	_ =	swait.ge [sflag:s22], s20  }
0xa4: {  	s9 =	ssub.s32 $0x0, s20;
	[sflag:s22] =	ssyncset.done $0x0  }
0xa5: {  	[sflag:s22] =	ssyncadd.s32 s9;
	_ =	sdelay $0x1  }
0xa6: {  	s23 =	simm.s32 $0x1B8B  }
0xa7: {  	_ =	swait.ge [sflag:s23], $0x1  }
0xa8: {  	[sflag:s23] =	ssyncset.done $0x0  }
0xa9: {  	s25 =	simm.s32 $0x1B8E;
	s24 =	sld [smem:$0x3FFE];
	[sflag:s23] =	ssyncadd.s32 $0xFFFFFFFF  }
0xaa: {  	s26 =	simm.s32 $execute0_lowered;
	[smem:$0x3FD2] =	sst s25  }
0xab: {  	s10 =	sshll.u32 s26, $0x1;
	_ =	strace $0x80000046;
	[dreg:$0x1] =	wrdreg $0xFFFFFFFF  }
0xac: {  	s28 =	simm.s32 $_size_execute0_lowered;
	s8 =	sadd.s32 s8, s10;
	[dreg:$0x0] =	wrdreg $0x0  }
0xad: {  	s10 =	sshll.u32 s28, $0x1;
	[dreg:$0x2] =	wrdreg s8  }
0xae: {  	[dreg:$0x3] =	wrdreg s10  }
0xaf: {  	[dreg:$0x4] =	wrdreg $0xC0  }
0xb0: {  	_ =	task [dreg:s12], $0x5FFFF  }
0xb1: {  	[dreg:$0x1] =	wrdreg $0xFFFFFFFF  }
0xb2: {  	[dreg:$0x0] =	wrdreg $0x60  }
0xb3: {  	[dreg:$0x2] =	wrdreg s2  }
0xb4: {  	[dreg:$0x3] =	wrdreg s24  }
0xb5: {  	[dreg:$0x4] =	wrdreg s18  }
0xb6: {  	[dreg:$0x5] =	wrdreg s4  }
0xb7: {  	[dreg:$0x6] =	wrdreg s5  }
0xb8: {  	[dreg:$0x7] =	wrdreg s6  }
0xb9: {  	[dreg:$0x8] =	wrdreg s7  }
0xba: {  	[dreg:$0x9] =	wrdreg $0x9  }
0xbb: {  	_ =	task.clear_ibuf [dreg:s12], $0xAFFFF;
	_ =	strace $0x90000046  }
0xbc: {  	s29 =	simm.s32 $0x9;
	_ =	strace $0x8000004C  }
0xbd: {  	_ =	swait.ge [sflag:s29], $0x1  }
0xbe: {  	[sflag:s29] =	ssyncadd.s32 $0xFFFFFFFF  }
0xbf: {  	_ =	strace $0x9000004C  }
0xc0: {  	_ =	sfence  }
0xc1: {  	s30 =	sld [smem:$0x0];
	_ =	sdelay $0x2  }
0xc2: {  	s31 =	sshll.u32 s1, $0xD;
	s1 =	sshrl.u32 s1, $0x2  }
0xc3: {  	s3 =	sand.u32 $0x4000, s31;
	s1 =	sadd.s32 s1, s30  }
0xc4: {  	s0 =	sor.u32 s3, s0;
	s1 =	sshll.u32 s1, $0x11  }
0xc5: {  	s0 =	sor.u32 s1, s0  }
0xc6: {  	s0 =	sadd.s32 $0x8F2B, s0  }
0xc7: {  	[sflag:s0] =	ssyncadd.remote.s32 $0x1  }
0xc8: {  	_ =	sfence.sel $0xFFFF  }
0xc9: {  	[dreg:$0x0] =	wrdreg $0xFFFFFFFF;
	(pc) =	sbr.abs _section_cstart, $3  }
0xca: {  	[dreg:$0x1] =	wrdreg $0xFFFFFFFF  }
0xcb: {  	_ =	task.clear_ibuf [dreg:s12], $0x2FFFF;
	_ =	strace $0x9FFFFFFF  }
0xcc: {  	(tm) =	ssettm $0x7FFFFFFF  }
0xcd: {  	_ =	shalt  }
tec
execute0_lowered:
.L_overlay_start_1:
0x0: {  	(tag) =	ssettag $0x1  }
0x1: {  	s0 =	rddreg [dreg:$0x0]  }
0x2: {  	s1 =	rddreg [dreg:$0x1]  }
0x3: {  	s5 =	rddreg [dreg:$0x6]  }
0x4: {  	s8 =	simm.s32 $0x0;
	s2 =	srdreg.scid;
	s4 =	stileid.u32  }
0x5: {  	s16 =	simm.s32 $0x2;
	s18 =	simm.s32 $0x300;
	s19 =	simm.s32 $0x400  }
0x6: {  	s20 =	simm.s32 $0x10D00;
	s21 =	simm.s32 $0x80;
	s22 =	simm.s32 $0x200  }
0x7: {  	s23 =	simm.s32 $0x8500;
	s24 =	simm.s32 $0x10500;
	s25 =	simm.s32 $0x4500  }
0x8: {  	s28 =	simm.s32 $0xC500;
	s29 =	simm.s32 $0x380;
	s30 =	simm.s32 $0x10900  }
0x9: {  	s31 =	simm.s32 $0x1;
	s7 =	simm.s32 $0x90;
	[smem:$0x7FF] =	sst s8  }
0xa: {  	s2 =	sand.u32 $0x1, s2;
	s9 =	sadd.s32 $0x800, s1;
	s4 =	sshll.u32 s4, $0x1  }
0xb: {  	s10 =	sadd.s32 $0x500A00, s1;
	s12 =	sadd.s32 $0x8, s5;
	s3 =	ssub.s32 $0x2, s2  }
0xc: {  	s13 =	sadd.s32 $0x9, s5;
	s14 =	sadd.s32 $0x11, s5;
	s26 =	sshrl.u32 s3, $0x1  }
0xd: {  	_ =	strace $0x80000047;
	s2 =	sor.u32 s2, s4;
	s1 =	ssub.s32 s3, s26  }
0xe: {  	s11 =	smul.u32 $0x2800, s2;
	s26 =	simm.s32 $0x280;
	s1 =	smax.u32 s1, $0x1  }
0xf: {  	s3 =	simm.s32 $0x0;
	[dreg:$0x8] =	wrdreg s1;
	s1 =	simm.s32 $0x8  }
.LBB2_1:
0x10: {  	[dreg:$0x9] =	wrdreg s3;
	s15 =	simm.s32 $0x0  }
.LBB2_2:
0x11: {  	s2 =	sshll.u32 s15, $0x8  }
0x12: {  	_ =	strace $0x80000048;
	s2 =	sadd.s32 s11, s2  }
0x13: {  	s3 =	rddreg [dreg:$0x2];
	s4 =	sshrl.u32 s2, $0x3  }
0x14: {  	s5 =	sadd.s32 s3, s4;
	s3 =	simm.s32 $0x0  }
0x15: {  	[tilespmem:s3], [sflag:$0x2] =	stream.linear.gather [hbm4b:s5+s3], $0x100, $0x200038;
	[tilespmem:$0x11500] =	vst v63  }
0x16: {  	_ =	swait.ge [sflag:s16], $0x100  }
0x17: {  	[sflag:s16] =	ssyncset.done $0x0  }
0x18: {  	[sflag:s16] =	ssyncadd.s32 $0xFFFFFF00  }
0x19: {  	s17 =	rddreg [dreg:$0x3]  }
0x1a: {  	s6 =	simm.s32 $0x100;
	s5 =	sadd.s32 s17, s4  }
0x1b: {  	[tilespmem:s6], [sflag:$0x2] =	stream.linear.gather [hbm4b:s5+s3], $0x100, $0x200038;
	[tilespmem:$0x11500] =	vst v63  }
0x1c: {  	_ =	swait.ge [sflag:s16], $0x100  }
0x1d: {  	[sflag:s16] =	ssyncset.done $0x0  }
0x1e: {  	[sflag:s16] =	ssyncadd.s32 $0xFFFFFF00  }
0x1f: {  	s6 =	rddreg [dreg:$0x4]  }
0x20: {  	s5 =	sadd.s32 s6, s4  }
0x21: {  	[tilespmem:s18], [sflag:$0x2] =	stream.linear.gather [hbm4b:s5+s3], $0x100, $0x200038;
	[tilespmem:$0x11500] =	vst v63  }
0x22: {  	_ =	swait.ge [sflag:s16], $0x100  }
0x23: {  	[sflag:s16] =	ssyncset.done $0x0  }
0x24: {  	[sflag:s16] =	ssyncadd.s32 $0xFFFFFF00  }
0x25: {  	s17 =	rddreg [dreg:$0x5]  }
0x26: {  	s4 =	sadd.s32 s17, s4  }
0x27: {  	[tilespmem:s19], [sflag:$0x2] =	stream.linear.gather [hbm4b:s4+s3], $0x100, $0x200038;
	[tilespmem:$0x11500] =	vst v63  }
0x28: {  	_ =	swait.ge [sflag:s16], $0x100  }
0x29: {  	[sflag:s16] =	ssyncset.done $0x0  }
0x2a: {  	s6 =	sadd.s32 s10, s2;
	[sflag:s16] =	ssyncadd.s32 $0xFFFFFF00  }
0x2b: {  	[tilespmem:s20], [sflag:$0x2] =	stream.linear.gather [hbm4b:s6+s3], $0x800, $0x200038;
	[tilespmem:$0x11500] =	vst v63  }
0x2c: {  	_ =	swait.ge [sflag:s16], $0x800  }
0x2d: {  	[sflag:s16] =	ssyncset.done $0x0  }
0x2e: {  	[sflag:s16] =	ssyncadd.s32 $0xFFFFF800  }
0x2f: {  	_ =	strace $0x90000048  }
0x30: {  	_ =	strace $0x80000049  }
0x31: {  	v0 =	vld [tilespmem:$0x400]  }
0x32: {  	v1 =	vld [tilespmem:$0x100]  }
0x33: {  	v2 =	vld [tilespmem:$0x410]  }
0x34: {  	v3 =	vld [tilespmem:$0x110]  }
0x35: {  	v4 =	vld [tilespmem:$0x420]  }
0x36: {  	v5 =	vld [tilespmem:$0x120]  }
0x37: {  	v6 =	vld [tilespmem:$0x430]  }
0x38: {  	v7 =	vld [tilespmem:$0x130]  }
0x39: {  	v8 =	vld [tilespmem:$0x440]  }
0x3a: {  	v9 =	vld [tilespmem:$0x140]  }
0x3b: {  	v10 =	vld [tilespmem:$0x450]  }
0x3c: {  	v11 =	vld [tilespmem:$0x150]  }
0x3d: {  	v12 =	vld [tilespmem:$0x460]  }
0x3e: {  	v13 =	vld [tilespmem:$0x160]  }
0x3f: {  	v14 =	vld [tilespmem:$0x470]  }
0x40: {  	v15 =	vld [tilespmem:$0x170]  }
0x41: {  	v16 =	vld [tilespmem:$0x480]  }
0x42: {  	v17 =	vld [tilespmem:$0x180]  }
0x43: {  	v18 =	vld [tilespmem:$0x490]  }
0x44: {  	v19 =	vld [tilespmem:$0x190]  }
0x45: {  	v38 =	vld [tilespmem:$0x4A0];
	vm0 =	veq.s32 v0, $0x0  }
0x46: {  	v39 =	vld [tilespmem:$0x1A0];
	vm13 =	veq.s32 v2, $0x0;
	v1 =	vsel vm0, $0x186A0, v1  }
0x47: {  	v41 =	vld [tilespmem:$0x4B0];
	vm14 =	veq.s32 v4, $0x0;
	v40 =	vsel vm13, $0x186A0, v3;
	[tilespmem:$0x200] =	vst v1  }
0x48: {  	v43 =	vld [tilespmem:$0x1B0];
	vm15 =	veq.s32 v6, $0x0;
	v42 =	vsel vm14, $0x186A0, v5;
	[tilespmem:$0x210] =	vst v40  }
0x49: {  	v45 =	vld [tilespmem:$0x4C0];
	vm4 =	veq.s32 v8, $0x0;
	v44 =	vsel vm15, $0x186A0, v7;
	[tilespmem:$0x220] =	vst v42  }
0x4a: {  	v47 =	vld [tilespmem:$0x1C0];
	vm5 =	veq.s32 v10, $0x0;
	v46 =	vsel vm4, $0x186A0, v9;
	[tilespmem:$0x230] =	vst v44  }
0x4b: {  	v49 =	vld [tilespmem:$0x4D0];
	vm6 =	veq.s32 v12, $0x0;
	v48 =	vsel vm5, $0x186A0, v11;
	[tilespmem:$0x240] =	vst v46  }
0x4c: {  	v51 =	vld [tilespmem:$0x1D0];
	vm7 =	veq.s32 v14, $0x0;
	v50 =	vsel vm6, $0x186A0, v13;
	[tilespmem:$0x250] =	vst v48  }
0x4d: {  	v53 =	vld [tilespmem:$0x4E0];
	vm8 =	veq.s32 v16, $0x0;
	v52 =	vsel vm7, $0x186A0, v15;
	[tilespmem:$0x260] =	vst v50  }
0x4e: {  	v55 =	vld [tilespmem:$0x1E0];
	vm9 =	veq.s32 v18, $0x0;
	v54 =	vsel vm8, $0x186A0, v17;
	[tilespmem:$0x270] =	vst v52  }
0x4f: {  	v57 =	vld [tilespmem:$0x4F0];
	vm10 =	veq.s32 v38, $0x0;
	v56 =	vsel vm9, $0x186A0, v19;
	[tilespmem:$0x280] =	vst v54  }
0x50: {  	v59 =	vld [tilespmem:$0x1F0];
	vm11 =	veq.s32 v41, $0x0;
	v58 =	vsel vm10, $0x186A0, v39;
	[tilespmem:$0x290] =	vst v56  }
0x51: {  	vm12 =	veq.s32 v45, $0x0;
	v60 =	vsel vm11, $0x186A0, v43;
	[tilespmem:$0x2A0] =	vst v58  }
0x52: {  	v61 =	vsel vm12, $0x186A0, v47;
	vm13 =	veq.s32 v49, $0x0;
	[tilespmem:$0x2B0] =	vst v60  }
0x53: {  	vm14 =	veq.s32 v53, $0x0;
	[tilespmem:$0x2C0] =	vst v61;
	v62 =	vsel vm13, $0x186A0, v51  }
0x54: {  	vm15 =	veq.s32 v57, $0x0;
	v63 =	vsel vm14, $0x186A0, v55;
	[tilespmem:$0x2D0] =	vst v62  }
0x55: {  	v0 =	vsel vm15, $0x186A0, v59;
	[tilespmem:$0x2E0] =	vst v63  }
0x56: {  	[tilespmem:$0x2F0] =	vst v0  }
0x57: {  	_ =	strace $0x90000049  }
0x58: {  	s4 =	simm.s32 $0x500;
	_ =	strace $0x8000004A  }
0x59: {  	[tilespmem:s4], [sflag:$0x1] =	stream.indirect.gather [hbm4b:s0+s21], $0x80, s3, s21, $0x2000b8;
	[tilespmem:$0x11500] =	vst v63  }
0x5a: {  	_ = 	snop  }
0x5b: {  	[tilespmem:s23], [sflag:$0x1] =	stream.indirect.gather [hbm4b:s0+s21], $0x80, s22, s21, $0x2000b8;
	[tilespmem:$0x11500] =	vst v63  }
0x5c: {  	_ = 	snop  }
0x5d: {  	[tilespmem:s24], [sflag:$0x1] =	stream.indirect.gather [hbm4b:s9+s21], $0x8, s18, s21, $0x2000b8;
	[tilespmem:$0x11500] =	vst v63  }
0x5e: {  	_ = 	snop  }
0x5f: {  	[tilespmem:s25], [sflag:$0x1] =	stream.indirect.gather [hbm4b:s0+s21], $0x80, s21, s21, $0x2000b8;
	[tilespmem:$0x11500] =	vst v63  }
0x60: {  	_ = 	snop  }
0x61: {  	[tilespmem:s28], [sflag:$0x1] =	stream.indirect.gather [hbm4b:s0+s21], $0x80, s26, s21, $0x2000b8;
	[tilespmem:$0x11500] =	vst v63  }
0x62: {  	_ = 	snop  }
0x63: {  	[tilespmem:s30], [sflag:$0x1] =	stream.indirect.gather [hbm4b:s9+s21], $0x8, s29, s21, $0x2000b8;
	[tilespmem:$0x11500] =	vst v63  }
0x64: {  	_ =	swait.ge [sflag:s31], $0x4000  }
0x65: {  	[sflag:s31] =	ssyncset.done $0x0  }
0x66: {  	[sflag:s31] =	ssyncadd.s32 $0xFFFFC000  }
0x67: {  	_ =	swait.ge [sflag:s31], $0x4000  }
0x68: {  	[sflag:s31] =	ssyncset.done $0x0  }
0x69: {  	[sflag:s31] =	ssyncadd.s32 $0xFFFFC000  }
0x6a: {  	_ =	swait.ge [sflag:s31], $0x400  }
0x6b: {  	[sflag:s31] =	ssyncset.done $0x0  }
0x6c: {  	[sflag:s31] =	ssyncadd.s32 $0xFFFFFC00  }
0x6d: {  	_ =	swait.ge [sflag:s31], $0x4000  }
0x6e: {  	[sflag:s31] =	ssyncset.done $0x0  }
0x6f: {  	[sflag:s31] =	ssyncadd.s32 $0xFFFFC000  }
0x70: {  	_ =	swait.ge [sflag:s31], $0x4000  }
0x71: {  	[sflag:s31] =	ssyncset.done $0x0  }
0x72: {  	[sflag:s31] =	ssyncadd.s32 $0xFFFFC000  }
0x73: {  	_ =	swait.ge [sflag:s31], $0x400  }
0x74: {  	[sflag:s31] =	ssyncset.done $0x0  }
0x75: {  	[sflag:s31] =	ssyncadd.s32 $0xFFFFFC00  }
0x76: {  	_ =	strace $0x9000004A  }
0x77: {  	s2 =	smul.u32 $0x12, s2;
	_ =	strace $0x8000004B  }
0x78: {  	s17 =	rddreg [dreg:$0x6]  }
0x79: {  	s3 =	sadd.s32 s17, s2  }
0x7a: {  	s5 =	simm.s32 $0x12;
	s6 =	simm.s32 $0x580;
	s17 =	sadd.s32 $0x0, s3  }
.LBB2_3:
0x7b: {  	[hbm4b:s17+s8] =	stream.linear.scatter [tilespmem:s4], [sflag:$0x2], $0x40, $0x200038;
	[tilespmem:$0x11500] =	vst v63  }
0x7c: {  	s17 =	smov.u32 s5;
	s4 =	smov.u32 s6;
	p0 =	sne.s32 s5, $0x11EE  }
.Ltmp0:
0x7d: {  	s5 =	sadd.s32 $0x12, s5;
	(pc) =	sbr.rel @p0 .LBB2_3-.Ltmp0, $2  }
0x7e: {  	_ =	sdelay $0x2  }
0x7f: {  	s6 =	sadd.s32 $0x80, s6;
	s17 =	sadd.s32 s17, s3  }
0x80: {  	[hbm4b:s17+s8] =	stream.linear.scatter [tilespmem:s4], [sflag:$0x2], $0x40, $0x200038;
	[tilespmem:$0x11500] =	vst v63  }
0x81: {  	_ =	swait.ge [sflag:s16], $0x4000  }
0x82: {  	[sflag:s16] =	ssyncset.done $0x0  }
0x83: {  	s3 =	sadd.s32 s2, s12;
	[sflag:s16] =	ssyncadd.s32 $0xFFFFC000  }
0x84: {  	[hbm4b:s3+s1] =	stream.strided.scatter [tilespmem:s24], [sflag:$0x2], $0x800, s7, s1, $0x200038;
	[tilespmem:$0x11500] =	vst v63  }
0x85: {  	s4 =	simm.s32 $0x8500;
	_ =	swait.ge [sflag:s16], $0x800  }
0x86: {  	s5 =	simm.s32 $0x12;
	s3 =	sadd.s32 s2, s13;
	[sflag:s16] =	ssyncset.done $0x0  }
0x87: {  	s6 =	simm.s32 $0x8580;
	s17 =	sadd.s32 $0x0, s3;
	[sflag:s16] =	ssyncadd.s32 $0xFFFFF800  }
.LBB2_5:
0x88: {  	[hbm4b:s17+s8] =	stream.linear.scatter [tilespmem:s4], [sflag:$0x2], $0x40, $0x200038;
	[tilespmem:$0x11500] =	vst v63  }
0x89: {  	s17 =	smov.u32 s5;
	s4 =	smov.u32 s6;
	p0 =	sne.s32 s5, $0x11EE  }
.Ltmp1:
0x8a: {  	s5 =	sadd.s32 $0x12, s5;
	(pc) =	sbr.rel @p0 .LBB2_5-.Ltmp1, $2  }
0x8b: {  	_ =	sdelay $0x2  }
0x8c: {  	s6 =	sadd.s32 $0x80, s6;
	s17 =	sadd.s32 s17, s3  }
0x8d: {  	[hbm4b:s17+s8] =	stream.linear.scatter [tilespmem:s4], [sflag:$0x2], $0x40, $0x200038;
	[tilespmem:$0x11500] =	vst v63  }
0x8e: {  	_ =	swait.ge [sflag:s16], $0x4000  }
0x8f: {  	s15 =	sadd.s32 $0x1, s15;
	[sflag:s16] =	ssyncset.done $0x0  }
0x90: {  	s2 =	sadd.s32 s2, s14;
	p0 =	sne.s32 s15, $0x28;
	[sflag:s16] =	ssyncadd.s32 $0xFFFFC000  }
0x91: {  	[hbm4b:s2+s1] =	stream.strided.scatter [tilespmem:s20], [sflag:$0x2], $0x800, s7, s1, $0x200038;
	[tilespmem:$0x11500] =	vst v63  }
.Ltmp2:
0x92: {  	_ = 	snop;
	(pc) =	sbr.rel @p0 .LBB2_2-.Ltmp2, $4  }
0x93: {  	_ =	swait.ge [sflag:s16], $0x800  }
0x94: {  	[sflag:s16] =	ssyncset.done $0x0  }
0x95: {  	[sflag:s16] =	ssyncadd.s32 $0xFFFFF800  }
0x96: {  	_ =	strace $0x9000004B  }
0x97: {  	s3 =	rddreg [dreg:$0x9]  }
0x98: {  	s2 =	rddreg [dreg:$0x8];
	s3 =	sadd.s32 $0x1, s3  }
0x99: {  	p0 =	sne.s32 s3, s2  }
.Ltmp3:
0x9a: {  	_ = 	snop;
	(pc) =	sbr.rel @p0 .LBB2_1-.Ltmp3, $1  }
0x9b: {  	_ =	sdelay $0x3  }
0x9c: {  	_ =	sfence.sel $0x180000  }
0x9d: {  	[bflag:$0x0] =	sbarrier.arrive $0xFFFF  }
0x9e: {  	_ =	strace $0x90000047  }
0x9f: {  	s0 =	stileid.u32;
	[bflag:$0x2] =	sbarrier.arrive $0xFFFF  }
0xa0: {  	p0 =	sne.s32 s0, $0x0;
	s0 =	rddreg [dreg:$0x7]  }
0xa1: {  	s0 =	sadd.s32 @!p0 $0x100000, s0  }
0xa2: {  	[sflag:s0] =	ssyncadd.tile.s32 @!p0 $0x1;
	_ =	shalt  }
.Lfunc_end2:
_tile_overlayer_lowered:
.L_overlay_start_2:
0xa3: {  	(tag) =	ssettag $0x2  }
0xa4: {  	s0 =	rddreg [dreg:$0x0];
	s2 =	stileid.u32  }
0xa5: {  	s1 =	rddreg [dreg:$0x1];
	p0 =	sne.s32 s2, $0x0  }
0xa6: {  	s3 =	rddreg [dreg:$0x2];
	[bflag:$0x3] =	sbarrier.arrive $0xFFFF;
	s2 =	simm.s32 @!p0 $0x1C02  }
0xa7: {  	[timem:s3], [sflag:s2] =	dma.local @!p0 [hbm:s0], s1  }
0xa8: {  	s0 =	simm.s32 @!p0 $0x2  }
0xa9: {  	_ =	swait.ge @!p0 [sflag:s0], s1  }
0xaa: {  	s1 =	ssub.s32 @!p0 $0x0, s1;
	[sflag:s0] =	ssyncset.done @!p0 $0x0  }
0xab: {  	[sflag:s0] =	ssyncadd.s32 @!p0 s1  }
0xac: {  	[bflag:$0x3] =	sbarrier.arrive $0xFFFF  }
0xad: {  	_ =	shalt  }

// kernel: sparse-core-data-format-call.cloned.1.call-start
scs
called_computation_lowered:
.L_overlay_start_0:
0x0: {  	s2 =	sld [smem:$0x3FD9]  }
0x1: {  	s3 =	sld [smem:$0x3FFE];
	_ =	sdelay $0x1  }
0x2: {  	s1 =	srdreg.scid  }
0x3: {  	s0 =	sand.u32 $0x1, s1  }
0x4: {  	s18 =	sshll.u32 s0, $0xA;
	s2 =	sadd.s32 s3, s2  }
0x5: {  	s2 =	sadd.s32 s2, s18  }
0x6: {  	[smem:$0x3FC1] =	sst s2  }
0x7: {  	_ = 	snop  }
0x8: {  	s2 =	sld [smem:$0x3FD0];
	(tm) =	ssettm $0x1  }
0x9: {  	s19 =	sld [smem:$0x3FFB];
	_ =	sdelay $0x3  }
0xa: {  	_ =	strace s19  }
0xb: {  	s3 =	sld [smem:$0x3FFC];
	_ =	sdelay $0x3  }
0xc: {  	_ =	strace s3  }
0xd: {  	s3 =	sld [smem:$0x3FFD];
	_ =	sdelay $0x3  }
0xe: {  	_ =	strace s3  }
0xf: {  	_ =	strace $0x8FFFFFFF  }
0x10: {  	s20 =	sld [smem:$0x3FDB];
	_ =	sdelay $0x1  }
0x11: {  	s4 =	simm.s32 $_scs_section_size  }
0x12: {  	s5 =	simm.s32 $_size__tile_overlayer_lowered;
	s6 =	simm.s32 $_tile_overlayer_lowered  }
0x13: {  	s23 =	simm.s32 $0x1BFF;
	s22 =	sshll.u32 s6, $0x1;
	s3 =	sadd.s32 s4, s20  }
0x14: {  	s7 =	simm.s32 $0x0;
	s21 =	sshll.u32 s5, $0x1;
	s5 =	sadd.s32 s22, s3  }
0x15: {  	[timem:s7], [sflag:s23] =	dma.local [hbm:s5], s21  }
0x16: {  	_ =	swait.ge [sflag:s23], s21  }
0x17: {  	s4 =	ssub.s32 $0x0, s21;
	[sflag:s23] =	ssyncset.done $0x0  }
0x18: {  	[sflag:s23] =	ssyncadd.s32 s4;
	_ =	sdelay $0x1  }
0x19: {  	s24 =	simm.s32 $0x1B8B  }
0x1a: {  	_ =	swait.ge [sflag:s24], $0x1  }
0x1b: {  	[sflag:s24] =	ssyncset.done $0x0  }
0x1c: {  	s26 =	simm.s32 $0x1B8E;
	s25 =	sld [smem:$0x3FFE];
	[sflag:s24] =	ssyncadd.s32 $0xFFFFFFFF  }
0x1d: {  	s27 =	simm.s32 $execute0_lowered;
	[smem:$0x3FD2] =	sst s26  }
0x1e: {  	s5 =	sshll.u32 s27, $0x1;
	_ =	strace $0x8000004D;
	[dreg:$0x1] =	wrdreg $0xFFFFFFFF  }
0x1f: {  	s28 =	simm.s32 $_size_execute0_lowered;
	s3 =	sadd.s32 s3, s5;
	[dreg:$0x0] =	wrdreg $0x0  }
0x20: {  	s5 =	sshll.u32 s28, $0x1;
	[dreg:$0x2] =	wrdreg s3  }
0x21: {  	[dreg:$0x3] =	wrdreg s5  }
0x22: {  	[dreg:$0x4] =	wrdreg $0xC0  }
0x23: {  	_ =	task [dreg:s7], $0x5FFFF  }
0x24: {  	[dreg:$0x1] =	wrdreg $0xFFFFFFFF  }
0x25: {  	[dreg:$0x0] =	wrdreg $0x60  }
0x26: {  	[dreg:$0x2] =	wrdreg s25  }
0x27: {  	[dreg:$0x3] =	wrdreg s2  }
0x28: {  	[dreg:$0x4] =	wrdreg $0x9  }
0x29: {  	_ =	task.clear_ibuf [dreg:s7], $0x5FFFF;
	_ =	strace $0x9000004D  }
0x2a: {  	s29 =	simm.s32 $0x9;
	_ =	strace $0x8000004F  }
0x2b: {  	_ =	swait.ge [sflag:s29], $0x1  }
0x2c: {  	[sflag:s29] =	ssyncadd.s32 $0xFFFFFFFF  }
0x2d: {  	_ =	strace $0x9000004F  }
0x2e: {  	_ =	sfence  }
0x2f: {  	s30 =	sld [smem:$0x0];
	_ =	sdelay $0x2  }
0x30: {  	s31 =	sshll.u32 s1, $0xD;
	s1 =	sshrl.u32 s1, $0x2  }
0x31: {  	s3 =	sand.u32 $0x4000, s31;
	s1 =	sadd.s32 s1, s30  }
0x32: {  	s0 =	sor.u32 s3, s0;
	s1 =	sshll.u32 s1, $0x11  }
0x33: {  	s0 =	sor.u32 s1, s0  }
0x34: {  	s0 =	sadd.s32 $0x8F2B, s0  }
0x35: {  	[sflag:s0] =	ssyncadd.remote.s32 $0x1  }
0x36: {  	_ =	sfence.sel $0xFFFF  }
0x37: {  	[dreg:$0x0] =	wrdreg $0xFFFFFFFF;
	(pc) =	sbr.abs _section_cstart, $3  }
0x38: {  	[dreg:$0x1] =	wrdreg $0xFFFFFFFF  }
0x39: {  	_ =	task.clear_ibuf [dreg:s7], $0x2FFFF;
	_ =	strace $0x9FFFFFFF  }
0x3a: {  	(tm) =	ssettm $0x7FFFFFFF  }
0x3b: {  	_ =	shalt  }
tec
execute0_lowered:
.L_overlay_start_1:
0x0: {  	(tag) =	ssettag $0x1  }
0x1: {  	s5 =	rddreg [dreg:$0x0]  }
0x2: {  	s0 =	srdreg.scid;
	s3 =	rddreg [dreg:$0x1];
	s7 =	simm.s32 $0x1  }
0x3: {  	s8 =	simm.s32 $0x2;
	s15 =	simm.s32 $0x0;
	s1 =	sshll.u32 s0, $0x4  }
0x4: {  	s14 =	simm.s32 $0x0;
	s0 =	stileid.u32;
	s1 =	sand.u32 $0x10, s1  }
0x5: {  	s9 =	simm.s32 $0x0;
	s10 =	simm.s32 $0x0;
	s1 =	sor.u32 s0, s1  }
0x6: {  	s11 =	simm.s32 $0x0;
	s13 =	simm.s32 $0x0;
	s2 =	sshll.u32 s1, $0x7  }
0x7: {  	s5 =	sadd.s32 $0x800, s5;
	s1 =	rddreg [dreg:$0x2];
	s6 =	ssub.s32 $0x50000, s2  }
.Ltmp0:
0x8: {  	_ =	strace $0x8000004E;
	s4 =	sand.u32 $0xF80, s6;
	(pc) =	sbr.rel .LBB1_1-.Ltmp0, $4  }
0x9: {  	s12 =	smov.u32 s2;
	p0 =	sne.s32 s4, $0x0;
	s4 =	simm.s32 $0x1  }
0xa: {  	s6 =	sshrl.u32 s6, $0xC;
	s7 =	simm.s32 @!p0 $0x0;
	[sflag:s4] =	ssyncpa.u1 $0x0  }
0xb: {  	p0 =	por $0x0, $0x0;
	s7 =	sadd.s32 s7, s6;
	[sflag:s8] =	ssyncpa.u1 $0x0  }
0xc: {  	s8 =	simm.s32 $0x280000;
	s6 =	sshll.u32 s7, $0x1;
	s7 =	sshllo.u32 s7, $0x1  }
.LBB1_4:
0xd: {  	s21 =	sshrl.u32 s9, $0x3;
	s22 =	sshll.u32 s10, $0x3  }
0xe: {  	s20 =	sshra.s32 s20, $0x2;
	s23 =	sshll.u32 s9, $0x7;
	s24 =	sand.u32 $0x7F, s10  }
0xf: {  	p1 =	sgt.s32 s9, $0x10;
	s28 =	sshra.s32 s9, $0x1F;
	s21 =	smul.u32 $0x280000, s21  }
0x10: {  	s29 =	sshra.s32 s10, $0x1F;
	s22 =	sand.u32 $0xFFFFFC00, s22;
	s25 =	sand.u32 $0x380, s23  }
0x11: {  	s19 =	sadd.s32 s20, s19;
	s26 =	sor.u32 s24, s25;
	s21 =	sadd.s32 s22, s21  }
0x12: {  	v5 =	vld [tilespmem:s17+$0xFFFFFFD0];
	s27 =	smulhi.u32 $0xCCCCCCCD, s21;
	s20 =	sor.u32 s21, s26;
	s21 =	smov.u32 s9  }
0x13: {  	[tilespmem:s18+$0x2040 ss:$0x81] =	vst.msk $0xffff, v4;
	v58 =	vld [tilespmem:s17+$0xFFFFFFE0];
	s23 =	sand.u32 s28, s9;
	s24 =	sand.u32 s29, s10;
	s21 =	simm.s32 @!p1 $0x10  }
0x14: {  	[tilespmem:s18+$0x2850 ss:$0x81] =	vst.msk $0xffff, v3;
	p1 =	sgt.s32 s10, $0x4FF80;
	s30 =	smulhi.u32 $0xCCCCCCCD, s20;
	s22 =	sshrl.u32 s27, $0x12  }
0x15: {  	v59 =	vld [tilespmem:s17+$0xFFFFFFF0];
	[tilespmem:s18+$0x3060 ss:$0x81] =	vst.msk $0xffff, v2;
	s21 =	ssub.s32 s21, s23;
	s23 =	smov.u32 s10;
	s25 =	smul.u32 $0xE39, s22  }
0x16: {  	v60 =	vld [tilespmem:s17+$0x0];
	[tilespmem:s18+$0x0 ss:$0x81] =	vst.msk $0xffff, v0;
	s23 =	simm.s32 @!p1 $0x4FF80;
	s31 =	sadd.s32 $0xFFFFFFF0, s21;
	s18 =	sshrl.u32 s30, $0x12  }
0x17: {  	v61 =	vld [tilespmem:s17+$0x10];
	[tilespmem:s19+$0x3870 ss:$0x81] =	vst.msk $0xffff, v1;
	s23 =	ssub.s32 s23, s24;
	s28 =	smul.u32 $0x50000, s18;
	s25 =	sshrl.u32 s25, $0x13  }
0x18: {  	v62 =	vld [tilespmem:s17+$0x20];
	[tilespmem:s19+$0x810 ss:$0x81] =	vst.msk $0xffff, v5;
	p1 =	sgt.s32 s31, $0x7F;
	s26 =	sadd.s32 $0xFFFB0080, s23;
	s27 =	smul.u32 $0x90, s25  }
0x19: {  	v63 =	vld [tilespmem:s17+$0xFFFFFFC0];
	[tilespmem:s19+$0x1020 ss:$0x81] =	vst.msk $0xffff, v58;
	s18 =	ssub.s32 $0x90, s21;
	s21 =	ssub.s32 $0x50000, s23;
	p2 =	sgt.s32 s26, $0x7F  }
0x1a: {  	[tilespmem:s19+$0x1830 ss:$0x81] =	vst.msk $0xffff, v59;
	s18 =	simm.s32 @p1 $0x0;
	s21 =	simm.s32 @p2 $0x0;
	s22 =	ssub.s32 s22, s27  }
0x1b: {  	[tilespmem:s19+$0x2040 ss:$0x81] =	vst.msk $0xffff, v60;
	s17 =	ssub.s32 s20, s28;
	s18 =	smul.u32 s21, s18;
	s29 =	sand.u32 $0xFFFF, s22  }
0x1c: {  	[tilespmem:s19+$0x2850 ss:$0x81] =	vst.msk $0xffff, v61;
	s30 =	sshrl.u32 s17, $0x3;
	s17 =	sand.u32 $0x7, s17;
	s20 =	smul.u32 $0xA000, s29  }
0x1d: {  	[tilespmem:s19+$0x3060 ss:$0x81] =	vst.msk $0xffff, v62;
	s21 =	sadd.s32 s3, s30;
	s17 =	sshll.u32 s17, $0x12  }
0x1e: {  	[tilespmem:s19+$0x0 ss:$0x81] =	vst.msk $0xffff, v63;
	s17 =	sor.u32 $0x400, s17;
	s18 =	sand.u32 $0x3FFFFFFF, s18;
	s31 =	sadd.s32 s20, s21  }
0x1f: {  	[hbm4b:s31+s17] =	stream.strided.scatter [tilespmem:s16], [sflag:$0x2], s18, s8, s17, $0x20;
	[tilespmem:$0x10100] =	vst v63  }
.LBB1_5:
0x20: {  	p1 =	slt.u32 s13, $0x2  }
0x21: {  	s17 =	smov.u32 s15;
	p2 =	sgt.s32 @!p1 s15, $0x10;
	s16 =	sshra.s32 @!p1 s15, $0x1F  }
0x22: {  	p3 =	sgt.s32 @!p1 s14, $0x4FF80;
	s18 =	sshra.s32 @!p1 s14, $0x1F;
	p2 =	por !p2, p1  }
0x23: {  	s15 =	sand.u32 @!p1 s16, s15;
	p3 =	por !p3, p1;
	s16 =	smov.u32 s14  }
0x24: {  	s14 =	sand.u32 @!p1 s18, s14;
	s17 =	simm.s32 @p2 $0x10;
	s16 =	simm.s32 @p3 $0x4FF80  }
0x25: {  	s15 =	ssub.s32 @!p1 s17, s15;
	s14 =	ssub.s32 @!p1 s16, s14  }
0x26: {  	s18 =	smov.u32 s12;
	s16 =	sadd.s32 @!p1 $0xFFFFFFF0, s15;
	s17 =	sadd.s32 @!p1 $0xFFFB0080, s14  }
0x27: {  	s15 =	ssub.s32 @!p1 $0x90, s15;
	p2 =	sgt.s32 @!p1 s16, $0x7F;
	p3 =	sgt.s32 @!p1 s17, $0x7F  }
0x28: {  	s14 =	ssub.s32 @!p1 $0x50000, s14;
	p2 =	por !p2, p1;
	p3 =	por !p3, p1  }
0x29: {  	s16 =	sadd.s32 $0x80, s11;
	s15 =	simm.s32 @!p2 $0x0;
	s14 =	simm.s32 @!p3 $0x0  }
0x2a: {  	p2 =	sgt.s32 s16, $0x89;
	s14 =	smul.u32 @!p1 s14, s15;
	s15 =	sadd.s32 $0x1000, s12  }
0x2b: {  	s18 =	smov.u32 @p2 s15  }
0x2c: {  	s16 =	simm.s32 @p2 $0x0;
	p2 =	sgt.s32 s18, $0x4FFFF  }
0x2d: {  	s18 =	smov.u32 @p2 s2;
	p2 =	sne.s32 s13, s7  }
.Ltmp1:
0x2e: {  	p0 =	por !p0, !p0;
	s17 =	simm.s32 @!p1 $0x2;
	(pc) =	sbr.rel @!p2 .LBB1_6-.Ltmp1, $4  }
0x2f: {  	s15 =	smov.u32 s9;
	s9 =	smov.u32 s11;
	s14 =	sand.u32 @!p1 $0x3FFFFFFF, s14  }
0x30: {  	s11 =	smov.u32 s16;
	_ =	swait.ge @!p1 [sflag:s17], s14;
	s19 =	ssub.s32 @!p1 $0x0, s14  }
0x31: {  	s14 =	smov.u32 s10;
	s13 =	sadd.s32 $0x1, s13;
	[sflag:s17] =	ssyncset.done @!p1 $0x0  }
0x32: {  	s10 =	smov.u32 s12;
	s12 =	smov.u32 s18;
	[sflag:s17] =	ssyncadd.s32 @!p1 s19  }
.LBB1_1:
0x33: {  	p1 =	sge.u32 s13, s6  }
0x34: {  	s16 =	sshll.u32 @!p1 s12, $0x8;
	s17 =	sshll.u32 @!p1 s11, $0x3  }
0x35: {  	s18 =	sshll.u32 @!p1 s12, $0x7;
	s16 =	sand.u32 @!p1 $0xFFFFF800, s16;
	s17 =	sand.u32 @!p1 $0xFFFFFC00, s17  }
0x36: {  	s16 =	sadd.s32 @!p1 s16, s17;
	s17 =	sand.u32 @!p1 $0x300, s18  }
0x37: {  	s16 =	sor.u32 @!p1 s17, s16  }
0x38: {  	s16 =	sshrl.u32 @!p1 s16, $0x8  }
0x39: {  	s17 =	smulhi.u32 @!p1 $0xCCCCCD, s16;
	_ =	sdelay $0x1  }
0x3a: {  	s19 =	sxor.u32 @!p1 $0xFFFFFFFF, s13;
	s20 =	sand.u32 @!p1 $0x78, s11;
	s17 =	sshrl.u32 @!p1 s17, $0xA  }
0x3b: {  	s19 =	sshll.u32 @!p1 s19, $0xE;
	s18 =	sand.u32 @!p1 $0x80, s18;
	s17 =	smul.u32 @!p1 $0x50000, s17  }
0x3c: {  	s31 =	sadd.s32 $0xFFFFFFFF, s13;
	s19 =	sand.u32 @!p1 $0x4000, s19;
	s18 =	sor.u32 @!p1 s20, s18  }
0x3d: {  	s16 =	ssub.s32 @!p1 s16, s17;
	s17 =	sshrl.u32 @!p1 s18, $0x3;
	s18 =	sand.u32 @!p1 $0x7, s11  }
0x3e: {  	s16 =	sshll.u32 @!p1 s16, $0x5;
	s17 =	sadd.s32 @!p1 s5, s17;
	s18 =	sshll.u32 @!p1 s18, $0x12  }
0x3f: {  	s16 =	sadd.s32 @!p1 s16, s17;
	s17 =	sor.u32 @!p1 $0x400, s18;
	s18 =	simm.s32 @!p1 $0x800  }
0x40: {  	[tilespmem:s19], [sflag:$0x1] =	stream.strided.gather @!p1 [hbm4b:s16+s17], $0x4000, s18, s17, $0x38;
	[tilespmem:$0x10100] =	vst v63  }
0x41: {  	p1 =	sge.u32 s31, s6  }
.Ltmp2:
0x42: {  	_ = 	snop;
	(pc) =	sbr.rel @p1 .LBB1_5-.Ltmp2, $1  }
0x43: {  	_ =	sdelay $0x3  }
0x44: {  	s16 =	simm.s32 $0x1  }
0x45: {  	_ =	swait.ge [sflag:s4], $0x4000;
	s16 =	simm.s32 @!p0 $0x0  }
0x46: {  	[sflag:s4] =	ssyncset.done $0x0;
	s17 =	sshll.u32 s16, $0xE  }
0x47: {  	[sflag:s4] =	ssyncadd.s32 $0xFFFFC000;
	s17 =	sor.u32 $0x40, s17  }
0x48: {  	s16 =	smul.u32 $0x10200, s16;
	v0 =	vld [tilespmem:s17+$0x30]  }
0x49: {  	v1 =	vld [tilespmem:s17+$0xFFFFFFD0]  }
0x4a: {  	s16 =	sshrl.u32 s16, $0x2;
	v5 =	vld [tilespmem:s17+$0xFFFFFFE0]  }
0x4b: {  	v6 =	vld [tilespmem:s17+$0xFFFFFFF0];
	s19 =	sor.u32 $0x8000, s16  }
0x4c: {  	s31 =	sand.u32 $0x1, s13;
	v4 =	vld [tilespmem:s17+$0x0];
	s18 =	sadd.s32 $0x0, s19  }
0x4d: {  	v3 =	vld [tilespmem:s17+$0x10];
	s16 =	smul.u32 $0x10200, s31;
	[tilespmem:s18+$0x3870 ss:$0x81] =	vst.msk $0xffff, v0  }
0x4e: {  	v2 =	vld [tilespmem:s17+$0x20];
	[tilespmem:s18+$0x810 ss:$0x81] =	vst.msk $0xffff, v1  }
0x4f: {  	s16 =	sshrl.u32 s16, $0x2;
	v0 =	vld [tilespmem:s17+$0xFFFFFFC0];
	[tilespmem:s18+$0x1020 ss:$0x81] =	vst.msk $0xffff, v5;
	s17 =	sadd.s32 $0x80, s17  }
0x50: {  	s20 =	simm.s32 $0x4;
	s21 =	simm.s32 $0x8;
	s16 =	sor.u32 $0x8000, s16;
	[tilespmem:s18+$0x1830 ss:$0x81] =	vst.msk $0xffff, v6;
	v1 =	vld [tilespmem:s17+$0x30]  }
.LBB1_3:
0x51: {  	p1 =	sne.s32 s21, $0x1FC;
	v5 =	vld [tilespmem:s17+$0xFFFFFFD0];
	[tilespmem:s18+$0x2040 ss:$0x81] =	vst.msk $0xffff, v4  }
0x52: {  	v6 =	vld [tilespmem:s17+$0xFFFFFFE0];
	[tilespmem:s18+$0x2850 ss:$0x81] =	vst.msk $0xffff, v3  }
0x53: {  	s22 =	sshra.s32 s20, $0x2;
	s20 =	smov.u32 s21;
	v7 =	vld [tilespmem:s17+$0xFFFFFFF0];
	[tilespmem:s18+$0x3060 ss:$0x81] =	vst.msk $0xffff, v2  }
.Ltmp3:
0x54: {  	v4 =	vld [tilespmem:s17+$0x0];
	[tilespmem:s18+$0x0 ss:$0x81] =	vst.msk $0xffff, v0;
	s18 =	sadd.s32 s22, s19;
	(pc) =	sbr.rel @p1 .LBB1_3-.Ltmp3, $4  }
0x55: {  	v3 =	vld [tilespmem:s17+$0x10];
	[tilespmem:s18+$0x3870 ss:$0x81] =	vst.msk $0xffff, v1  }
0x56: {  	[tilespmem:s18+$0x810 ss:$0x81] =	vst.msk $0xffff, v5;
	v2 =	vld [tilespmem:s17+$0x20]  }
0x57: {  	v0 =	vld [tilespmem:s17+$0xFFFFFFC0];
	[tilespmem:s18+$0x1020 ss:$0x81] =	vst.msk $0xffff, v6;
	s17 =	sadd.s32 $0x80, s17  }
0x58: {  	s21 =	sadd.s32 $0x4, s21;
	v1 =	vld [tilespmem:s17+$0x30];
	[tilespmem:s18+$0x1830 ss:$0x81] =	vst.msk $0xffff, v7  }
.Ltmp4:
0x59: {  	_ = 	snop;
	(pc) =	sbr.rel .LBB1_4-.Ltmp4, $1  }
0x5a: {  	_ =	sdelay $0x3  }
.LBB1_6:
0x5b: {  	_ =	sfence.sel $0x180000  }
0x5c: {  	s2 =	simm.s32 $0x1;
	[bflag:$0x0] =	sbarrier.arrive $0xFFFF  }
0x5d: {  	s31 =	simm.s32 $0x2;
	[sflag:s2] =	ssyncpa.u1 $0x1  }
0x5e: {  	[sflag:s31] =	ssyncpa.u1 $0x1  }
0x5f: {  	p0 =	sne.s32 s0, $0x0;
	_ =	strace $0x9000004E  }
0x60: {  	s0 =	sadd.s32 @!p0 $0x100000, s1;
	[bflag:$0x2] =	sbarrier.arrive $0xFFFF  }
0x61: {  	[sflag:s0] =	ssyncadd.tile.s32 @!p0 $0x1;
	_ =	shalt  }
.Lfunc_end1:
_tile_overlayer_lowered:
.L_overlay_start_2:
0x62: {  	(tag) =	ssettag $0x2  }
0x63: {  	s0 =	rddreg [dreg:$0x0];
	s2 =	stileid.u32  }
0x64: {  	s1 =	rddreg [dreg:$0x1];
	p0 =	sne.s32 s2, $0x0  }
0x65: {  	s3 =	rddreg [dreg:$0x2];
	[bflag:$0x3] =	sbarrier.arrive $0xFFFF;
	s2 =	simm.s32 @!p0 $0x1C01  }
0x66: {  	[timem:s3], [sflag:s2] =	dma.local @!p0 [hbm:s0], s1  }
0x67: {  	s0 =	simm.s32 @!p0 $0x1  }
0x68: {  	_ =	swait.ge @!p0 [sflag:s0], s1  }
0x69: {  	s1 =	ssub.s32 @!p0 $0x0, s1;
	[sflag:s0] =	ssyncset.done @!p0 $0x0  }
0x6a: {  	[sflag:s0] =	ssyncadd.s32 @!p0 s1  }
0x6b: {  	[bflag:$0x3] =	sbarrier.arrive $0xFFFF  }
0x6c: {  	_ =	shalt  }

</sc_bundles>
